<compile_context>
chip_gen: v7x
topology: tpu7x:2x2x1
jax: 0.10.2.dev20260603
libtpu: 0.0.44.dev20260713+nightly
codegen_flags: <defaults>
</compile_context>

<pallas_src>
import functools

import jax
import jax.numpy as jnp
from jax import lax
from jax.experimental import pallas as pl
from jax.experimental.pallas import tpu as pltpu
from jax.experimental.pallas import tpu_sc as plsc

N = 10000
NSUB = 2500
E = 320000
C = 128

NC, NS, L = 2, 16, 16
CG = 8
NCG = C // CG
EH = E // 2
CHUNK = 2000
NCHUNK = EH // CHUNK
UNROLL = 4

_MESH = plsc.VectorSubcoreMesh(core_axis_name="c", subcore_axis_name="s",
                               num_cores=NC, num_subcores=NS)

GW = 25
GROWS = N // GW


@functools.partial(
    pl.kernel,
    out_type=jax.ShapeDtypeStruct((N, 2 * C), jnp.float32),
    mesh=_MESH,
    scratch_types=[
        pltpu.VMEM((GROWS,), jnp.int32),
        pltpu.VMEM((GROWS, 2 * C), jnp.float32),
        pltpu.SemaphoreType.DMA,
    ],
)
def _up_gather(tab_hbm, idx_hbm, out_hbm, idx_v, rows_v, sem):
    wid = lax.axis_index("c") * NS + lax.axis_index("s")

    @pl.when(wid < GW)
    def _():
        base = wid * GROWS
        pltpu.sync_copy(idx_hbm.at[pl.ds(base, GROWS)], idx_v)
        pltpu.async_copy(tab_hbm.at[idx_v], rows_v, sem).wait()
        pltpu.sync_copy(rows_v, out_hbm.at[pl.ds(base, GROWS)])


@functools.partial(
    pl.kernel,
    out_type=jax.ShapeDtypeStruct((2, NCG, N * CG), jnp.float32),
    mesh=_MESH,
    compiler_params=pltpu.CompilerParams(needs_layout_passes=False,
                                         use_tc_tiling_on_sc=False),
    scratch_types=[
        pltpu.VMEM((N * CG,), jnp.float32),
        pltpu.VMEM((CHUNK,), jnp.int32),
        pltpu.VMEM((CHUNK,), jnp.int32),
        pltpu.VMEM((CHUNK, CG), jnp.float32),
        pltpu.SemaphoreType.DMA,
    ],
)
def _seg_max(ag_hbm, src_hbm, dst_hbm, out_hbm, acc, src_v, dst_v, row_v, sem):
    half = lax.axis_index("c")
    cg = lax.axis_index("s")

    iota = lax.iota(jnp.int32, L)
    lane8 = iota & 7
    hi = (iota >> 3) & 1
    lo = 1 - hi
    neg_inf = jnp.full((L,), -jnp.inf, jnp.float32)

    def init(k, _):
        acc[pl.ds(k * L, L)] = neg_inf
        return 0

    lax.fori_loop(0, N * CG // L, init, 0)

    def chunk_body(ci, _):
        base = half * EH + ci * CHUNK
        pltpu.sync_copy(src_hbm.at[pl.ds(base, CHUNK)], src_v)
        pltpu.sync_copy(dst_hbm.at[pl.ds(base, CHUNK)], dst_v)
        pltpu.async_copy(ag_hbm.at[cg].at[src_v], row_v, sem).wait()

        def edge_body(i, _):
            for j in range(UNROLL):
                i0 = 2 * (UNROLL * i + j)
                rows = i0 + hi
                rows_sw = i0 + lo
                d = plsc.load_gather(dst_v, [rows])
                d_sw = plsc.load_gather(dst_v, [rows_sw])
                v = plsc.load_gather(row_v, [rows, lane8])
                v_sw = plsc.load_gather(row_v, [rows_sw, lane8])
                v = jnp.where(d == d_sw, jnp.maximum(v, v_sw), v)
                aidx = d * CG + lane8
                old = plsc.load_gather(acc, [aidx])
                plsc.store_scatter(acc, [aidx], jnp.maximum(old, v))
            return 0

        lax.fori_loop(0, CHUNK // (2 * UNROLL), edge_body, 0)
        return 0

    lax.fori_loop(0, NCHUNK, chunk_body, 0)
    pltpu.sync_copy(acc, out_hbm.at[half, cg])


def _segment_max(a, src, dst):
    ag = a.reshape(N, NCG, CG).transpose(1, 0, 2)
    part = _seg_max(ag, src, dst)
    agg = jnp.max(part, axis=0).reshape(NCG, N, CG)
    return agg.transpose(1, 0, 2).reshape(N, C)


def kernel(sub_x, x, edge_index, up_idx, W_mix, b_mix, W_res, b_res,
           gamma_res, beta_res):
    src = edge_index[0]
    dst = edge_index[1]

    W1m, W2m = W_mix[:2 * C], W_mix[2 * C:]
    Dm = W1m - W2m
    sub_proj = jnp.concatenate([sub_x @ W2m[C:], sub_x @ Dm[C:]], axis=1)
    up = _up_gather(sub_proj, up_idx)
    A1 = x @ W2m[:C] + up[:, :C]
    B1 = x @ Dm[:C] + up[:, C:2 * C] + b_mix

    s1 = _segment_max(A1, src, dst) + B1
    h = jnp.where(jnp.isfinite(s1), s1, 0.0)

    W1r, W2r = W_res[:C], W_res[C:]
    A2 = h @ W2r
    B2 = h @ (W1r - W2r) + b_res
    s2 = _segment_max(A2, src, dst) + B2
    h_res = jnp.where(jnp.isfinite(s2), s2, 0.0)

    mu = jnp.mean(h_res, axis=0, keepdims=True)
    var = jnp.var(h_res, axis=0, keepdims=True)
    hn = (h_res - mu) / jnp.sqrt(var + 1e-5) * gamma_res + beta_res
    return jax.nn.relu(hn) + h

# --- scband reference (transcript-rebuilt; emitter-appended) ---
"""Pipeline reference for scband-decoder-gcn-76716705841220 (READ-ONLY COPY).

The authoritative reference and input builder live on the scoring server;
editing this copy changes nothing except your own understanding.
"""

import jax, jax.numpy as jnp
import numpy as np


def edge_conv(x, src, dst, W, b, n):
    # PyG/DGL-style EdgeConv: per-edge MLP on [x_dst, x_src - x_dst], max aggregation onto dst
    xd = x[dst]
    xs = x[src]
    m = jnp.concatenate([xd, xs - xd], axis=1) @ W + b
    agg = jax.ops.segment_max(m, dst, num_segments=n)
    return jnp.where(jnp.isfinite(agg), agg, 0.0)


def batch_norm(h, gamma, beta, eps=1e-5):
    mu = jnp.mean(h, axis=0, keepdims=True)
    var = jnp.var(h, axis=0, keepdims=True)
    return (h - mu) / jnp.sqrt(var + eps) * gamma + beta


def setup_inputs(seed: int = 0) -> dict:
    key = jax.random.key(seed)
    ks = jax.random.split(key, 10)
    N, Nsub, E, Cin, Cout = 10000, 2500, 320000, 128, 128
    sub_x = jax.random.normal(ks[0], (Nsub, Cin), dtype=jnp.float32)
    x = jax.random.normal(ks[1], (N, Cout), dtype=jnp.float32)
    edge_index = jax.random.randint(ks[2], (2, E), 0, N, dtype=jnp.int32)
    up_idx = jax.random.randint(ks[3], (N,), 0, Nsub, dtype=jnp.int32)
    W_mix = jax.random.normal(ks[4], (2 * (Cin + Cout), Cout), dtype=jnp.float32) * 0.05
    b_mix = jnp.zeros((Cout,), dtype=jnp.float32)
    W_res = jax.random.normal(ks[5], (2 * Cout, Cout), dtype=jnp.float32) * 0.05
    b_res = jnp.zeros((Cout,), dtype=jnp.float32)
    gamma_res = jnp.ones((Cout,), dtype=jnp.float32)
    beta_res = jnp.zeros((Cout,), dtype=jnp.float32)
    return {"sub_x": sub_x, "x": x, "edge_index": edge_index, "up_idx": up_idx,
            "W_mix": W_mix, "b_mix": b_mix, "W_res": W_res, "b_res": b_res,
            "gamma_res": gamma_res, "beta_res": beta_res}


def reference(sub_x, x, edge_index, up_idx, W_mix, b_mix, W_res, b_res, gamma_res, beta_res):
    # DecoderGCN.forward:
    #   feature_sub = GraphUpSamplingLayer(subgraph, graph)  -> nearest coarse-node gather
    #   feature     = cat([graph.x, feature_sub], dim=1)
    #   feature     = feature_mix (EdgeConv) on fine graph
    #   graph       = ResGCN(blocks-1)  -> residual EdgeConv blocks w/ batchnorm + relu
    src = edge_index[0]
    dst = edge_index[1]
    N = x.shape[0]
    feature_sub = sub_x[up_idx]
    feature = jnp.concatenate([x, feature_sub], axis=1)
    h = edge_conv(feature, src, dst, W_mix, b_mix, N)
    # one residual block (blocks - 1 = 1)
    h_res = edge_conv(h, src, dst, W_res, b_res, N)
    h = jax.nn.relu(batch_norm(h_res, gamma_res, beta_res)) + h
    return h

if __name__ == "__main__":
    import jax
    _d = setup_inputs()
    print(jax.jit(kernel)(*tuple(_d.values())))

</pallas_src>

<mosaic_0001>
#map = affine_map<(d0, d1) -> (0, 0)>
#map1 = affine_map<(d0, d1) -> (0)>
module attributes {stable_mosaic.version = 14 : i64} {
  func.func @_up_gather(%arg0: i32, %arg1: i32, %arg2: memref<2500x256xf32, #tpu.memory_space<hbm>>, %arg3: memref<10000xi32, #tpu.memory_space<hbm>>, %arg4: memref<10000x256xf32, #tpu.memory_space<hbm>>, %arg5: memref<400xi32, #tpu.memory_space<vmem>>, %arg6: memref<400x256xf32, #tpu.memory_space<vmem>>, %arg7: memref<!tpu.dma_semaphore, #tpu.memory_space<semaphore_mem>>) attributes {dimension_semantics = [#tpu.dimension_semantics<core_parallel>, #tpu.dimension_semantics<subcore_parallel>], iteration_bounds = array<i64: 2, 16>, scalar_prefetch = 0 : i64, scratch_operands = 3 : i64, tpu.core_type = #tpu.core_type<sc_vector_subcore>, window_params = [{transform_indices = #map}, {transform_indices = #map1}, {transform_indices = #map}]} {
    %mul3A = arith.constant 16 : i32
    %mul3A_0 = arith.muli %arg0, %mul3A : i32
    %add3A = arith.addi %mul3A_0, %arg1 : i32
    %lt3A = arith.constant 25 : i32
    %lt3A_1 = arith.cmpi slt, %add3A, %lt3A : i32
    %convert_element_type3A = arith.extui %lt3A_1 : i1 to i32
    %cond3A = arith.constant 0 : i32
    %cond3A_2 = arith.cmpi ne, %convert_element_type3A, %cond3A : i32
    scf.if %cond3A_2 {
      %mul3A_3 = arith.constant 400 : i32
      %mul3A_4 = arith.muli %add3A, %mul3A_3 : i32
      "tpu.region"() ({
        %run_scoped3A = tpu.sem_alloc : memref<!tpu.dma_semaphore, #tpu.memory_space<semaphore_mem>>
        %dma_start3A_9 = tpu.memref_slice %arg3[%mul3A_4] : memref<10000xi32, #tpu.memory_space<hbm>> -> memref<400xi32, #tpu.memory_space<hbm>>
        %dma_start3A_10 = tpu.memref_slice %arg3[%mul3A_4] : memref<10000xi32, #tpu.memory_space<hbm>> -> memref<400xi32, #tpu.memory_space<hbm>>
        tpu.enqueue_dma source(%dma_start3A_10 : memref<400xi32, #tpu.memory_space<hbm>>) target(%arg5 : memref<400xi32, #tpu.memory_space<vmem>>) target_semaphore(%run_scoped3A : memref<!tpu.dma_semaphore, #tpu.memory_space<semaphore_mem>>)
        %dma_wait3A_11 = tpu.memref_slice %arg3[%mul3A_4] : memref<10000xi32, #tpu.memory_space<hbm>> -> memref<400xi32, #tpu.memory_space<hbm>>
        %dma_wait3A_12 = tpu.memref_slice %arg3[%mul3A_4] : memref<10000xi32, #tpu.memory_space<hbm>> -> memref<400xi32, #tpu.memory_space<hbm>>
        tpu.wait_dma2 semaphore(%run_scoped3A : memref<!tpu.dma_semaphore, #tpu.memory_space<semaphore_mem>>) src(%dma_wait3A_12 : memref<400xi32, #tpu.memory_space<hbm>>) dst(%arg5 : memref<400xi32, #tpu.memory_space<vmem>>)
        tpu.yield
      }) : () -> ()
      %dma_start3A = arith.constant 0 : i32
      %dma_start3A_5 = arith.constant 0 : i32
      %dma_start3A_6 = tpu.memref_slice %arg2[%dma_start3A, %dma_start3A_5] : memref<2500x256xf32, #tpu.memory_space<hbm>> -> memref<2500x256xf32, #tpu.memory_space<hbm>>
      tpu.enqueue_indirect_dma source(%dma_start3A_6 : memref<2500x256xf32, #tpu.memory_space<hbm>>) target(%arg6 : memref<400x256xf32, #tpu.memory_space<vmem>>) offsets(%arg5 : memref<400xi32, #tpu.memory_space<vmem>>) semaphore(%arg7 : memref<!tpu.dma_semaphore, #tpu.memory_space<semaphore_mem>>)
      %dma_wait3A = arith.constant 0 : i32
      %dma_wait3A_7 = arith.constant 0 : i32
      %dma_wait3A_8 = tpu.memref_slice %arg2[%dma_wait3A, %dma_wait3A_7] : memref<2500x256xf32, #tpu.memory_space<hbm>> -> memref<2500x256xf32, #tpu.memory_space<hbm>>
      tpu.wait_indirect_dma semaphore(%arg7 : memref<!tpu.dma_semaphore, #tpu.memory_space<semaphore_mem>>) src(%dma_wait3A_8 : memref<2500x256xf32, #tpu.memory_space<hbm>>) dst(%arg6 : memref<400x256xf32, #tpu.memory_space<vmem>>)
      "tpu.region"() ({
        %run_scoped3A = tpu.sem_alloc : memref<!tpu.dma_semaphore, #tpu.memory_space<semaphore_mem>>
        %dma_start3A_9 = arith.constant 0 : i32
        %dma_start3A_10 = tpu.memref_slice %arg4[%mul3A_4, %dma_start3A_9] : memref<10000x256xf32, #tpu.memory_space<hbm>> -> memref<400x256xf32, #tpu.memory_space<hbm>>
        %dma_start3A_11 = arith.constant 0 : i32
        %dma_start3A_12 = tpu.memref_slice %arg4[%mul3A_4, %dma_start3A_11] : memref<10000x256xf32, #tpu.memory_space<hbm>> -> memref<400x256xf32, #tpu.memory_space<hbm>>
        tpu.enqueue_dma source(%arg6 : memref<400x256xf32, #tpu.memory_space<vmem>>) target(%dma_start3A_12 : memref<400x256xf32, #tpu.memory_space<hbm>>) target_semaphore(%run_scoped3A : memref<!tpu.dma_semaphore, #tpu.memory_space<semaphore_mem>>)
        %dma_wait3A_13 = arith.constant 0 : i32
        %dma_wait3A_14 = tpu.memref_slice %arg4[%mul3A_4, %dma_wait3A_13] : memref<10000x256xf32, #tpu.memory_space<hbm>> -> memref<400x256xf32, #tpu.memory_space<hbm>>
        %dma_wait3A_15 = arith.constant 0 : i32
        %dma_wait3A_16 = tpu.memref_slice %arg4[%mul3A_4, %dma_wait3A_15] : memref<10000x256xf32, #tpu.memory_space<hbm>> -> memref<400x256xf32, #tpu.memory_space<hbm>>
        tpu.wait_dma2 semaphore(%run_scoped3A : memref<!tpu.dma_semaphore, #tpu.memory_space<semaphore_mem>>) src(%arg6 : memref<400x256xf32, #tpu.memory_space<vmem>>) dst(%dma_wait3A_16 : memref<400x256xf32, #tpu.memory_space<hbm>>)
        tpu.yield
      }) : () -> ()
    } else {
    }
    return
  }
}

#map = affine_map<(d0, d1) -> (0, 0, 0)>
#map1 = affine_map<(d0, d1) -> (0)>
module attributes {stable_mosaic.version = 14 : i64} {
  func.func @_seg_max(%arg0: i32, %arg1: i32, %arg2: memref<16x10000x8xf32, #tpu.memory_space<hbm>>, %arg3: memref<320000xi32, #tpu.memory_space<hbm>>, %arg4: memref<320000xi32, #tpu.memory_space<hbm>>, %arg5: memref<2x16x80000xf32, #tpu.memory_space<hbm>>, %arg6: memref<80000xf32, #tpu.memory_space<vmem>>, %arg7: memref<2000xi32, #tpu.memory_space<vmem>>, %arg8: memref<2000xi32, #tpu.memory_space<vmem>>, %arg9: memref<2000x8xf32, #tpu.memory_space<vmem>>, %arg10: memref<!tpu.dma_semaphore, #tpu.memory_space<semaphore_mem>>) attributes {dimension_semantics = [#tpu.dimension_semantics<core_parallel>, #tpu.dimension_semantics<subcore_parallel>], iteration_bounds = array<i64: 2, 16>, scalar_prefetch = 0 : i64, scratch_operands = 5 : i64, tpu.core_type = #tpu.core_type<sc_vector_subcore>, window_params = [{transform_indices = #map}, {transform_indices = #map1}, {transform_indices = #map1}, {transform_indices = #map}]} {
    %iota3A = tpu.iota {dimensions = array<i32: 0>} : vector<16xi32>
    %and3A = arith.constant 7 : i32
    %and3A_0 = vector.broadcast %and3A : i32 to vector<16xi32>
    %and3A_1 = arith.andi %iota3A, %and3A_0 : vector<16xi32>
    %shift_right_arithmetic3A = arith.constant 3 : i32
    %shift_right_arithmetic3A_2 = vector.broadcast %shift_right_arithmetic3A : i32 to vector<16xi32>
    %shift_right_arithmetic3A_3 = arith.shrsi %iota3A, %shift_right_arithmetic3A_2 : vector<16xi32>
    %and3A_4 = arith.constant 1 : i32
    %and3A_5 = vector.broadcast %and3A_4 : i32 to vector<16xi32>
    %and3A_6 = arith.andi %shift_right_arithmetic3A_3, %and3A_5 : vector<16xi32>
    %sub3A = arith.constant 1 : i32
    %sub3A_7 = vector.broadcast %sub3A : i32 to vector<16xi32>
    %sub3A_8 = arith.subi %sub3A_7, %and3A_6 : vector<16xi32>
    %broadcast_in_dim3A = arith.constant 0xFF800000 : f32
    %broadcast_in_dim3A_9 = vector.broadcast %broadcast_in_dim3A : f32 to vector<16xf32>
    %scan3A = arith.constant 0 : i32
    %scan3A_10 = arith.constant 0 : i32
    %scan3A_11 = arith.constant 5000 : i32
    %scan3A_12 = arith.addi %scan3A_10, %scan3A_11 : i32
    %scan3A_13 = arith.constant 1 : i32
    %scan3A_14 = scf.for %scan3A_23 = %scan3A_10 to %scan3A_12 step %scan3A_13 iter_args(%scan3A_24 = %scan3A) -> (i32)  : i32 {
      %mul3A = arith.constant 16 : i32
      %mul3A_25 = arith.muli %scan3A_23, %mul3A : i32
      %swap3A = arith.index_cast %mul3A_25 : i32 to index
      %swap3A_26 = tpu.vector_load %arg6[%swap3A] {strides = array<i32>} : memref<80000xf32, #tpu.memory_space<vmem>>, vector<16xf32>,
      tpu.vector_store %arg6[%swap3A], %broadcast_in_dim3A_9 {strides = array<i32>} : memref<80000xf32, #tpu.memory_space<vmem>>, vector<16xf32>,
      %scan3A_27 = arith.constant 0 : i32
      scf.yield %scan3A_27 : i32
    }
    %scan3A_15 = arith.constant 5000 : i32
    %scan3A_16 = arith.constant 0 : i32
    %scan3A_17 = arith.constant 0 : i32
    %scan3A_18 = arith.constant 80 : i32
    %scan3A_19 = arith.addi %scan3A_17, %scan3A_18 : i32
    %scan3A_20 = arith.constant 1 : i32
    %scan3A_21 = scf.for %scan3A_23 = %scan3A_17 to %scan3A_19 step %scan3A_20 iter_args(%scan3A_24 = %scan3A_16) -> (i32)  : i32 {
      %mul3A = arith.constant 160000 : i32
      %mul3A_25 = arith.muli %arg0, %mul3A : i32
      %mul3A_26 = arith.constant 2000 : i32
      %mul3A_27 = arith.muli %scan3A_23, %mul3A_26 : i32
      %add3A = arith.addi %mul3A_25, %mul3A_27 : i32
      "tpu.region"() ({
        %run_scoped3A = tpu.sem_alloc : memref<!tpu.dma_semaphore, #tpu.memory_space<semaphore_mem>>
        %dma_start3A_48 = tpu.memref_slice %arg3[%add3A] : memref<320000xi32, #tpu.memory_space<hbm>> -> memref<2000xi32, #tpu.memory_space<hbm>>
        %dma_start3A_49 = tpu.memref_slice %arg3[%add3A] : memref<320000xi32, #tpu.memory_space<hbm>> -> memref<2000xi32, #tpu.memory_space<hbm>>
        tpu.enqueue_dma source(%dma_start3A_49 : memref<2000xi32, #tpu.memory_space<hbm>>) target(%arg7 : memref<2000xi32, #tpu.memory_space<vmem>>) target_semaphore(%run_scoped3A : memref<!tpu.dma_semaphore, #tpu.memory_space<semaphore_mem>>)
        %dma_wait3A_50 = tpu.memref_slice %arg3[%add3A] : memref<320000xi32, #tpu.memory_space<hbm>> -> memref<2000xi32, #tpu.memory_space<hbm>>
        %dma_wait3A_51 = tpu.memref_slice %arg3[%add3A] : memref<320000xi32, #tpu.memory_space<hbm>> -> memref<2000xi32, #tpu.memory_space<hbm>>
        tpu.wait_dma2 semaphore(%run_scoped3A : memref<!tpu.dma_semaphore, #tpu.memory_space<semaphore_mem>>) src(%dma_wait3A_51 : memref<2000xi32, #tpu.memory_space<hbm>>) dst(%arg7 : memref<2000xi32, #tpu.memory_space<vmem>>)
        tpu.yield
      }) : () -> ()
      "tpu.region"() ({
        %run_scoped3A = tpu.sem_alloc : memref<!tpu.dma_semaphore, #tpu.memory_space<semaphore_mem>>
        %dma_start3A_48 = tpu.memref_slice %arg4[%add3A] : memref<320000xi32, #tpu.memory_space<hbm>> -> memref<2000xi32, #tpu.memory_space<hbm>>
        %dma_start3A_49 = tpu.memref_slice %arg4[%add3A] : memref<320000xi32, #tpu.memory_space<hbm>> -> memref<2000xi32, #tpu.memory_space<hbm>>
        tpu.enqueue_dma source(%dma_start3A_49 : memref<2000xi32, #tpu.memory_space<hbm>>) target(%arg8 : memref<2000xi32, #tpu.memory_space<vmem>>) target_semaphore(%run_scoped3A : memref<!tpu.dma_semaphore, #tpu.memory_space<semaphore_mem>>)
        %dma_wait3A_50 = tpu.memref_slice %arg4[%add3A] : memref<320000xi32, #tpu.memory_space<hbm>> -> memref<2000xi32, #tpu.memory_space<hbm>>
        %dma_wait3A_51 = tpu.memref_slice %arg4[%add3A] : memref<320000xi32, #tpu.memory_space<hbm>> -> memref<2000xi32, #tpu.memory_space<hbm>>
        tpu.wait_dma2 semaphore(%run_scoped3A : memref<!tpu.dma_semaphore, #tpu.memory_space<semaphore_mem>>) src(%dma_wait3A_51 : memref<2000xi32, #tpu.memory_space<hbm>>) dst(%arg8 : memref<2000xi32, #tpu.memory_space<vmem>>)
        tpu.yield
      }) : () -> ()
      %dma_start3A = arith.constant 0 : i32
      %dma_start3A_28 = arith.constant 0 : i32
      %dma_start3A_29 = tpu.memref_slice %arg2[%arg1, %dma_start3A, %dma_start3A_28] : memref<16x10000x8xf32, #tpu.memory_space<hbm>> -> memref<1x10000x8xf32, #tpu.memory_space<hbm>>
      %dma_start3A_30 = tpu.memref_squeeze %dma_start3A_29 : memref<1x10000x8xf32, #tpu.memory_space<hbm>> -> memref<10000x8xf32, #tpu.memory_space<hbm>>
      %dma_start3A_31 = arith.constant 0 : i32
      %dma_start3A_32 = arith.constant 0 : i32
      %dma_start3A_33 = tpu.memref_slice %dma_start3A_30[%dma_start3A_31, %dma_start3A_32] : memref<10000x8xf32, #tpu.memory_space<hbm>> -> memref<10000x8xf32, #tpu.memory_space<hbm>>
      tpu.enqueue_indirect_dma source(%dma_start3A_33 : memref<10000x8xf32, #tpu.memory_space<hbm>>) target(%arg9 : memref<2000x8xf32, #tpu.memory_space<vmem>>) offsets(%arg7 : memref<2000xi32, #tpu.memory_space<vmem>>) semaphore(%arg10 : memref<!tpu.dma_semaphore, #tpu.memory_space<semaphore_mem>>)
      %dma_wait3A = arith.constant 0 : i32
      %dma_wait3A_34 = arith.constant 0 : i32
      %dma_wait3A_35 = tpu.memref_slice %arg2[%arg1, %dma_wait3A, %dma_wait3A_34] : memref<16x10000x8xf32, #tpu.memory_space<hbm>> -> memref<1x10000x8xf32, #tpu.memory_space<hbm>>
      %dma_wait3A_36 = tpu.memref_squeeze %dma_wait3A_35 : memref<1x10000x8xf32, #tpu.memory_space<hbm>> -> memref<10000x8xf32, #tpu.memory_space<hbm>>
      %dma_wait3A_37 = arith.constant 0 : i32
      %dma_wait3A_38 = arith.constant 0 : i32
      %dma_wait3A_39 = tpu.memref_slice %dma_wait3A_36[%dma_wait3A_37, %dma_wait3A_38] : memref<10000x8xf32, #tpu.memory_space<hbm>> -> memref<10000x8xf32, #tpu.memory_space<hbm>>
      tpu.wait_indirect_dma semaphore(%arg10 : memref<!tpu.dma_semaphore, #tpu.memory_space<semaphore_mem>>) src(%dma_wait3A_39 : memref<10000x8xf32, #tpu.memory_space<hbm>>) dst(%arg9 : memref<2000x8xf32, #tpu.memory_space<vmem>>)
      %scan3A_40 = arith.constant 0 : i32
      %scan3A_41 = arith.constant 0 : i32
      %scan3A_42 = arith.constant 250 : i32
      %scan3A_43 = arith.addi %scan3A_41, %scan3A_42 : i32
      %scan3A_44 = arith.constant 1 : i32
      %scan3A_45 = scf.for %scan3A_48 = %scan3A_41 to %scan3A_43 step %scan3A_44 iter_args(%scan3A_49 = %scan3A_40) -> (i32)  : i32 {
        %mul3A_50 = arith.constant 4 : i32
        %mul3A_51 = arith.muli %mul3A_50, %scan3A_48 : i32
        %add3A_52 = arith.constant 0 : i32
        %add3A_53 = arith.addi %mul3A_51, %add3A_52 : i32
        %mul3A_54 = arith.constant 2 : i32
        %mul3A_55 = arith.muli %mul3A_54, %add3A_53 : i32
        %add3A_56 = vector.broadcast %mul3A_55 : i32 to vector<16xi32>
        %add3A_57 = arith.addi %add3A_56, %and3A_6 : vector<16xi32>
        %add3A_58 = vector.broadcast %mul3A_55 : i32 to vector<16xi32>
        %add3A_59 = arith.addi %add3A_58, %sub3A_8 : vector<16xi32>
        %gather3A = tpu.vector_load_idx %arg8[%add3A_57] : memref<2000xi32, #tpu.memory_space<vmem>>[vector<16xi32>], vector<16xi32>,
        %gather3A_60 = tpu.vector_load_idx %arg8[%add3A_59] : memref<2000xi32, #tpu.memory_space<vmem>>[vector<16xi32>], vector<16xi32>,
        %gather3A_61 = tpu.vector_load_idx %arg9[%add3A_57, %and3A_1] : memref<2000x8xf32, #tpu.memory_space<vmem>>[vector<16xi32>, vector<16xi32>], vector<16xf32>,
        %gather3A_62 = tpu.vector_load_idx %arg9[%add3A_59, %and3A_1] : memref<2000x8xf32, #tpu.memory_space<vmem>>[vector<16xi32>, vector<16xi32>], vector<16xf32>,
        %eq3A = arith.cmpi eq, %gather3A, %gather3A_60 : vector<16xi32>
        %max3A = arith.maximumf %gather3A_61, %gather3A_62 : vector<16xf32>
        %select_n3A = arith.select %eq3A, %max3A, %gather3A_61 : vector<16xi1>, vector<16xf32>
        %mul3A_63 = arith.constant 8 : i32
        %mul3A_64 = vector.broadcast %mul3A_63 : i32 to vector<16xi32>
        %mul3A_65 = arith.muli %gather3A, %mul3A_64 : vector<16xi32>
        %add3A_66 = arith.addi %mul3A_65, %and3A_1 : vector<16xi32>
        %gather3A_67 = tpu.vector_load_idx %arg6[%add3A_66] : memref<80000xf32, #tpu.memory_space<vmem>>[vector<16xi32>], vector<16xf32>,
        %max3A_68 = arith.maximumf %gather3A_67, %select_n3A : vector<16xf32>
        tpu.vector_store_idx %arg6[%add3A_66], %max3A_68 : memref<80000xf32, #tpu.memory_space<vmem>>[vector<16xi32>], vector<16xf32>,
        %mul3A_69 = arith.constant 4 : i32
        %mul3A_70 = arith.muli %mul3A_69, %scan3A_48 : i32
        %add3A_71 = arith.constant 1 : i32
        %add3A_72 = arith.addi %mul3A_70, %add3A_71 : i32
        %mul3A_73 = arith.constant 2 : i32
        %mul3A_74 = arith.muli %mul3A_73, %add3A_72 : i32
        %add3A_75 = vector.broadcast %mul3A_74 : i32 to vector<16xi32>
        %add3A_76 = arith.addi %add3A_75, %and3A_6 : vector<16xi32>
        %add3A_77 = vector.broadcast %mul3A_74 : i32 to vector<16xi32>
        %add3A_78 = arith.addi %add3A_77, %sub3A_8 : vector<16xi32>
        %gather3A_79 = tpu.vector_load_idx %arg8[%add3A_76] : memref<2000xi32, #tpu.memory_space<vmem>>[vector<16xi32>], vector<16xi32>,
        %gather3A_80 = tpu.vector_load_idx %arg8[%add3A_78] : memref<2000xi32, #tpu.memory_space<vmem>>[vector<16xi32>], vector<16xi32>,
        %gather3A_81 = tpu.vector_load_idx %arg9[%add3A_76, %and3A_1] : memref<2000x8xf32, #tpu.memory_space<vmem>>[vector<16xi32>, vector<16xi32>], vector<16xf32>,
        %gather3A_82 = tpu.vector_load_idx %arg9[%add3A_78, %and3A_1] : memref<2000x8xf32, #tpu.memory_space<vmem>>[vector<16xi32>, vector<16xi32>], vector<16xf32>,
        %eq3A_83 = arith.cmpi eq, %gather3A_79, %gather3A_80 : vector<16xi32>
        %max3A_84 = arith.maximumf %gather3A_81, %gather3A_82 : vector<16xf32>
        %select_n3A_85 = arith.select %eq3A_83, %max3A_84, %gather3A_81 : vector<16xi1>, vector<16xf32>
        %mul3A_86 = arith.constant 8 : i32
        %mul3A_87 = vector.broadcast %mul3A_86 : i32 to vector<16xi32>
        %mul3A_88 = arith.muli %gather3A_79, %mul3A_87 : vector<16xi32>
        %add3A_89 = arith.addi %mul3A_88, %and3A_1 : vector<16xi32>
        %gather3A_90 = tpu.vector_load_idx %arg6[%add3A_89] : memref<80000xf32, #tpu.memory_space<vmem>>[vector<16xi32>], vector<16xf32>,
        %max3A_91 = arith.maximumf %gather3A_90, %select_n3A_85 : vector<16xf32>
        tpu.vector_store_idx %arg6[%add3A_89], %max3A_91 : memref<80000xf32, #tpu.memory_space<vmem>>[vector<16xi32>], vector<16xf32>,
        %mul3A_92 = arith.constant 4 : i32
        %mul3A_93 = arith.muli %mul3A_92, %scan3A_48 : i32
        %add3A_94 = arith.constant 2 : i32
        %add3A_95 = arith.addi %mul3A_93, %add3A_94 : i32
        %mul3A_96 = arith.constant 2 : i32
        %mul3A_97 = arith.muli %mul3A_96, %add3A_95 : i32
        %add3A_98 = vector.broadcast %mul3A_97 : i32 to vector<16xi32>
        %add3A_99 = arith.addi %add3A_98, %and3A_6 : vector<16xi32>
        %add3A_100 = vector.broadcast %mul3A_97 : i32 to vector<16xi32>
        %add3A_101 = arith.addi %add3A_100, %sub3A_8 : vector<16xi32>
        %gather3A_102 = tpu.vector_load_idx %arg8[%add3A_99] : memref<2000xi32, #tpu.memory_space<vmem>>[vector<16xi32>], vector<16xi32>,
        %gather3A_103 = tpu.vector_load_idx %arg8[%add3A_101] : memref<2000xi32, #tpu.memory_space<vmem>>[vector<16xi32>], vector<16xi32>,
        %gather3A_104 = tpu.vector_load_idx %arg9[%add3A_99, %and3A_1] : memref<2000x8xf32, #tpu.memory_space<vmem>>[vector<16xi32>, vector<16xi32>], vector<16xf32>,
        %gather3A_105 = tpu.vector_load_idx %arg9[%add3A_101, %and3A_1] : memref<2000x8xf32, #tpu.memory_space<vmem>>[vector<16xi32>, vector<16xi32>], vector<16xf32>,
        %eq3A_106 = arith.cmpi eq, %gather3A_102, %gather3A_103 : vector<16xi32>
        %max3A_107 = arith.maximumf %gather3A_104, %gather3A_105 : vector<16xf32>
        %select_n3A_108 = arith.select %eq3A_106, %max3A_107, %gather3A_104 : vector<16xi1>, vector<16xf32>
        %mul3A_109 = arith.constant 8 : i32
        %mul3A_110 = vector.broadcast %mul3A_109 : i32 to vector<16xi32>
        %mul3A_111 = arith.muli %gather3A_102, %mul3A_110 : vector<16xi32>
        %add3A_112 = arith.addi %mul3A_111, %and3A_1 : vector<16xi32>
        %gather3A_113 = tpu.vector_load_idx %arg6[%add3A_112] : memref<80000xf32, #tpu.memory_space<vmem>>[vector<16xi32>], vector<16xf32>,
        %max3A_114 = arith.maximumf %gather3A_113, %select_n3A_108 : vector<16xf32>
        tpu.vector_store_idx %arg6[%add3A_112], %max3A_114 : memref<80000xf32, #tpu.memory_space<vmem>>[vector<16xi32>], vector<16xf32>,
        %mul3A_115 = arith.constant 4 : i32
        %mul3A_116 = arith.muli %mul3A_115, %scan3A_48 : i32
        %add3A_117 = arith.constant 3 : i32
        %add3A_118 = arith.addi %mul3A_116, %add3A_117 : i32
        %mul3A_119 = arith.constant 2 : i32
        %mul3A_120 = arith.muli %mul3A_119, %add3A_118 : i32
        %add3A_121 = vector.broadcast %mul3A_120 : i32 to vector<16xi32>
        %add3A_122 = arith.addi %add3A_121, %and3A_6 : vector<16xi32>
        %add3A_123 = vector.broadcast %mul3A_120 : i32 to vector<16xi32>
        %add3A_124 = arith.addi %add3A_123, %sub3A_8 : vector<16xi32>
        %gather3A_125 = tpu.vector_load_idx %arg8[%add3A_122] : memref<2000xi32, #tpu.memory_space<vmem>>[vector<16xi32>], vector<16xi32>,
        %gather3A_126 = tpu.vector_load_idx %arg8[%add3A_124] : memref<2000xi32, #tpu.memory_space<vmem>>[vector<16xi32>], vector<16xi32>,
        %gather3A_127 = tpu.vector_load_idx %arg9[%add3A_122, %and3A_1] : memref<2000x8xf32, #tpu.memory_space<vmem>>[vector<16xi32>, vector<16xi32>], vector<16xf32>,
        %gather3A_128 = tpu.vector_load_idx %arg9[%add3A_124, %and3A_1] : memref<2000x8xf32, #tpu.memory_space<vmem>>[vector<16xi32>, vector<16xi32>], vector<16xf32>,
        %eq3A_129 = arith.cmpi eq, %gather3A_125, %gather3A_126 : vector<16xi32>
        %max3A_130 = arith.maximumf %gather3A_127, %gather3A_128 : vector<16xf32>
        %select_n3A_131 = arith.select %eq3A_129, %max3A_130, %gather3A_127 : vector<16xi1>, vector<16xf32>
        %mul3A_132 = arith.constant 8 : i32
        %mul3A_133 = vector.broadcast %mul3A_132 : i32 to vector<16xi32>
        %mul3A_134 = arith.muli %gather3A_125, %mul3A_133 : vector<16xi32>
        %add3A_135 = arith.addi %mul3A_134, %and3A_1 : vector<16xi32>
        %gather3A_136 = tpu.vector_load_idx %arg6[%add3A_135] : memref<80000xf32, #tpu.memory_space<vmem>>[vector<16xi32>], vector<16xf32>,
        %max3A_137 = arith.maximumf %gather3A_136, %select_n3A_131 : vector<16xf32>
        tpu.vector_store_idx %arg6[%add3A_135], %max3A_137 : memref<80000xf32, #tpu.memory_space<vmem>>[vector<16xi32>], vector<16xf32>,
        %scan3A_138 = arith.constant 0 : i32
        scf.yield %scan3A_138 : i32
      }
      %scan3A_46 = arith.constant 250 : i32
      %scan3A_47 = arith.constant 0 : i32
      scf.yield %scan3A_47 : i32
    }
    %scan3A_22 = arith.constant 80 : i32
    "tpu.region"() ({
      %run_scoped3A = tpu.sem_alloc : memref<!tpu.dma_semaphore, #tpu.memory_space<semaphore_mem>>
      %dma_start3A = arith.constant 0 : i32
      %dma_start3A_23 = tpu.memref_slice %arg5[%arg0, %arg1, %dma_start3A] : memref<2x16x80000xf32, #tpu.memory_space<hbm>> -> memref<1x1x80000xf32, #tpu.memory_space<hbm>>
      %dma_start3A_24 = tpu.memref_squeeze %dma_start3A_23 : memref<1x1x80000xf32, #tpu.memory_space<hbm>> -> memref<80000xf32, #tpu.memory_space<hbm>>
      %dma_start3A_25 = arith.constant 0 : i32
      %dma_start3A_26 = tpu.memref_slice %arg5[%arg0, %arg1, %dma_start3A_25] : memref<2x16x80000xf32, #tpu.memory_space<hbm>> -> memref<1x1x80000xf32, #tpu.memory_space<hbm>>
      %dma_start3A_27 = tpu.memref_squeeze %dma_start3A_26 : memref<1x1x80000xf32, #tpu.memory_space<hbm>> -> memref<80000xf32, #tpu.memory_space<hbm>>
      tpu.enqueue_dma source(%arg6 : memref<80000xf32, #tpu.memory_space<vmem>>) target(%dma_start3A_27 : memref<80000xf32, #tpu.memory_space<hbm>>) target_semaphore(%run_scoped3A : memref<!tpu.dma_semaphore, #tpu.memory_space<semaphore_mem>>)
      %dma_wait3A = arith.constant 0 : i32
      %dma_wait3A_28 = tpu.memref_slice %arg5[%arg0, %arg1, %dma_wait3A] : memref<2x16x80000xf32, #tpu.memory_space<hbm>> -> memref<1x1x80000xf32, #tpu.memory_space<hbm>>
      %dma_wait3A_29 = tpu.memref_squeeze %dma_wait3A_28 : memref<1x1x80000xf32, #tpu.memory_space<hbm>> -> memref<80000xf32, #tpu.memory_space<hbm>>
      %dma_wait3A_30 = arith.constant 0 : i32
      %dma_wait3A_31 = tpu.memref_slice %arg5[%arg0, %arg1, %dma_wait3A_30] : memref<2x16x80000xf32, #tpu.memory_space<hbm>> -> memref<1x1x80000xf32, #tpu.memory_space<hbm>>
      %dma_wait3A_32 = tpu.memref_squeeze %dma_wait3A_31 : memref<1x1x80000xf32, #tpu.memory_space<hbm>> -> memref<80000xf32, #tpu.memory_space<hbm>>
      tpu.wait_dma2 semaphore(%run_scoped3A : memref<!tpu.dma_semaphore, #tpu.memory_space<semaphore_mem>>) src(%arg6 : memref<80000xf32, #tpu.memory_space<vmem>>) dst(%dma_wait3A_32 : memref<80000xf32, #tpu.memory_space<hbm>>)
      tpu.yield
    }) : () -> ()
    return
  }
}

#map = affine_map<(d0, d1) -> (0, 0, 0)>
#map1 = affine_map<(d0, d1) -> (0)>
module attributes {stable_mosaic.version = 14 : i64} {
  func.func @_seg_max(%arg0: i32, %arg1: i32, %arg2: memref<16x10000x8xf32, #tpu.memory_space<hbm>>, %arg3: memref<320000xi32, #tpu.memory_space<hbm>>, %arg4: memref<320000xi32, #tpu.memory_space<hbm>>, %arg5: memref<2x16x80000xf32, #tpu.memory_space<hbm>>, %arg6: memref<80000xf32, #tpu.memory_space<vmem>>, %arg7: memref<2000xi32, #tpu.memory_space<vmem>>, %arg8: memref<2000xi32, #tpu.memory_space<vmem>>, %arg9: memref<2000x8xf32, #tpu.memory_space<vmem>>, %arg10: memref<!tpu.dma_semaphore, #tpu.memory_space<semaphore_mem>>) attributes {dimension_semantics = [#tpu.dimension_semantics<core_parallel>, #tpu.dimension_semantics<subcore_parallel>], iteration_bounds = array<i64: 2, 16>, scalar_prefetch = 0 : i64, scratch_operands = 5 : i64, tpu.core_type = #tpu.core_type<sc_vector_subcore>, window_params = [{transform_indices = #map}, {transform_indices = #map1}, {transform_indices = #map1}, {transform_indices = #map}]} {
    %iota3A = tpu.iota {dimensions = array<i32: 0>} : vector<16xi32>
    %and3A = arith.constant 7 : i32
    %and3A_0 = vector.broadcast %and3A : i32 to vector<16xi32>
    %and3A_1 = arith.andi %iota3A, %and3A_0 : vector<16xi32>
    %shift_right_arithmetic3A = arith.constant 3 : i32
    %shift_right_arithmetic3A_2 = vector.broadcast %shift_right_arithmetic3A : i32 to vector<16xi32>
    %shift_right_arithmetic3A_3 = arith.shrsi %iota3A, %shift_right_arithmetic3A_2 : vector<16xi32>
    %and3A_4 = arith.constant 1 : i32
    %and3A_5 = vector.broadcast %and3A_4 : i32 to vector<16xi32>
    %and3A_6 = arith.andi %shift_right_arithmetic3A_3, %and3A_5 : vector<16xi32>
    %sub3A = arith.constant 1 : i32
    %sub3A_7 = vector.broadcast %sub3A : i32 to vector<16xi32>
    %sub3A_8 = arith.subi %sub3A_7, %and3A_6 : vector<16xi32>
    %broadcast_in_dim3A = arith.constant 0xFF800000 : f32
    %broadcast_in_dim3A_9 = vector.broadcast %broadcast_in_dim3A : f32 to vector<16xf32>
    %scan3A = arith.constant 0 : i32
    %scan3A_10 = arith.constant 0 : i32
    %scan3A_11 = arith.constant 5000 : i32
    %scan3A_12 = arith.addi %scan3A_10, %scan3A_11 : i32
    %scan3A_13 = arith.constant 1 : i32
    %scan3A_14 = scf.for %scan3A_23 = %scan3A_10 to %scan3A_12 step %scan3A_13 iter_args(%scan3A_24 = %scan3A) -> (i32)  : i32 {
      %mul3A = arith.constant 16 : i32
      %mul3A_25 = arith.muli %scan3A_23, %mul3A : i32
      %swap3A = arith.index_cast %mul3A_25 : i32 to index
      %swap3A_26 = tpu.vector_load %arg6[%swap3A] {strides = array<i32>} : memref<80000xf32, #tpu.memory_space<vmem>>, vector<16xf32>,
      tpu.vector_store %arg6[%swap3A], %broadcast_in_dim3A_9 {strides = array<i32>} : memref<80000xf32, #tpu.memory_space<vmem>>, vector<16xf32>,
      %scan3A_27 = arith.constant 0 : i32
      scf.yield %scan3A_27 : i32
    }
    %scan3A_15 = arith.constant 5000 : i32
    %scan3A_16 = arith.constant 0 : i32
    %scan3A_17 = arith.constant 0 : i32
    %scan3A_18 = arith.constant 80 : i32
    %scan3A_19 = arith.addi %scan3A_17, %scan3A_18 : i32
    %scan3A_20 = arith.constant 1 : i32
    %scan3A_21 = scf.for %scan3A_23 = %scan3A_17 to %scan3A_19 step %scan3A_20 iter_args(%scan3A_24 = %scan3A_16) -> (i32)  : i32 {
      %mul3A = arith.constant 160000 : i32
      %mul3A_25 = arith.muli %arg0, %mul3A : i32
      %mul3A_26 = arith.constant 2000 : i32
      %mul3A_27 = arith.muli %scan3A_23, %mul3A_26 : i32
      %add3A = arith.addi %mul3A_25, %mul3A_27 : i32
      "tpu.region"() ({
        %run_scoped3A = tpu.sem_alloc : memref<!tpu.dma_semaphore, #tpu.memory_space<semaphore_mem>>
        %dma_start3A_48 = tpu.memref_slice %arg3[%add3A] : memref<320000xi32, #tpu.memory_space<hbm>> -> memref<2000xi32, #tpu.memory_space<hbm>>
        %dma_start3A_49 = tpu.memref_slice %arg3[%add3A] : memref<320000xi32, #tpu.memory_space<hbm>> -> memref<2000xi32, #tpu.memory_space<hbm>>
        tpu.enqueue_dma source(%dma_start3A_49 : memref<2000xi32, #tpu.memory_space<hbm>>) target(%arg7 : memref<2000xi32, #tpu.memory_space<vmem>>) target_semaphore(%run_scoped3A : memref<!tpu.dma_semaphore, #tpu.memory_space<semaphore_mem>>)
        %dma_wait3A_50 = tpu.memref_slice %arg3[%add3A] : memref<320000xi32, #tpu.memory_space<hbm>> -> memref<2000xi32, #tpu.memory_space<hbm>>
        %dma_wait3A_51 = tpu.memref_slice %arg3[%add3A] : memref<320000xi32, #tpu.memory_space<hbm>> -> memref<2000xi32, #tpu.memory_space<hbm>>
        tpu.wait_dma2 semaphore(%run_scoped3A : memref<!tpu.dma_semaphore, #tpu.memory_space<semaphore_mem>>) src(%dma_wait3A_51 : memref<2000xi32, #tpu.memory_space<hbm>>) dst(%arg7 : memref<2000xi32, #tpu.memory_space<vmem>>)
        tpu.yield
      }) : () -> ()
      "tpu.region"() ({
        %run_scoped3A = tpu.sem_alloc : memref<!tpu.dma_semaphore, #tpu.memory_space<semaphore_mem>>
        %dma_start3A_48 = tpu.memref_slice %arg4[%add3A] : memref<320000xi32, #tpu.memory_space<hbm>> -> memref<2000xi32, #tpu.memory_space<hbm>>
        %dma_start3A_49 = tpu.memref_slice %arg4[%add3A] : memref<320000xi32, #tpu.memory_space<hbm>> -> memref<2000xi32, #tpu.memory_space<hbm>>
        tpu.enqueue_dma source(%dma_start3A_49 : memref<2000xi32, #tpu.memory_space<hbm>>) target(%arg8 : memref<2000xi32, #tpu.memory_space<vmem>>) target_semaphore(%run_scoped3A : memref<!tpu.dma_semaphore, #tpu.memory_space<semaphore_mem>>)
        %dma_wait3A_50 = tpu.memref_slice %arg4[%add3A] : memref<320000xi32, #tpu.memory_space<hbm>> -> memref<2000xi32, #tpu.memory_space<hbm>>
        %dma_wait3A_51 = tpu.memref_slice %arg4[%add3A] : memref<320000xi32, #tpu.memory_space<hbm>> -> memref<2000xi32, #tpu.memory_space<hbm>>
        tpu.wait_dma2 semaphore(%run_scoped3A : memref<!tpu.dma_semaphore, #tpu.memory_space<semaphore_mem>>) src(%dma_wait3A_51 : memref<2000xi32, #tpu.memory_space<hbm>>) dst(%arg8 : memref<2000xi32, #tpu.memory_space<vmem>>)
        tpu.yield
      }) : () -> ()
      %dma_start3A = arith.constant 0 : i32
      %dma_start3A_28 = arith.constant 0 : i32
      %dma_start3A_29 = tpu.memref_slice %arg2[%arg1, %dma_start3A, %dma_start3A_28] : memref<16x10000x8xf32, #tpu.memory_space<hbm>> -> memref<1x10000x8xf32, #tpu.memory_space<hbm>>
      %dma_start3A_30 = tpu.memref_squeeze %dma_start3A_29 : memref<1x10000x8xf32, #tpu.memory_space<hbm>> -> memref<10000x8xf32, #tpu.memory_space<hbm>>
      %dma_start3A_31 = arith.constant 0 : i32
      %dma_start3A_32 = arith.constant 0 : i32
      %dma_start3A_33 = tpu.memref_slice %dma_start3A_30[%dma_start3A_31, %dma_start3A_32] : memref<10000x8xf32, #tpu.memory_space<hbm>> -> memref<10000x8xf32, #tpu.memory_space<hbm>>
      tpu.enqueue_indirect_dma source(%dma_start3A_33 : memref<10000x8xf32, #tpu.memory_space<hbm>>) target(%arg9 : memref<2000x8xf32, #tpu.memory_space<vmem>>) offsets(%arg7 : memref<2000xi32, #tpu.memory_space<vmem>>) semaphore(%arg10 : memref<!tpu.dma_semaphore, #tpu.memory_space<semaphore_mem>>)
      %dma_wait3A = arith.constant 0 : i32
      %dma_wait3A_34 = arith.constant 0 : i32
      %dma_wait3A_35 = tpu.memref_slice %arg2[%arg1, %dma_wait3A, %dma_wait3A_34] : memref<16x10000x8xf32, #tpu.memory_space<hbm>> -> memref<1x10000x8xf32, #tpu.memory_space<hbm>>
      %dma_wait3A_36 = tpu.memref_squeeze %dma_wait3A_35 : memref<1x10000x8xf32, #tpu.memory_space<hbm>> -> memref<10000x8xf32, #tpu.memory_space<hbm>>
      %dma_wait3A_37 = arith.constant 0 : i32
      %dma_wait3A_38 = arith.constant 0 : i32
      %dma_wait3A_39 = tpu.memref_slice %dma_wait3A_36[%dma_wait3A_37, %dma_wait3A_38] : memref<10000x8xf32, #tpu.memory_space<hbm>> -> memref<10000x8xf32, #tpu.memory_space<hbm>>
      tpu.wait_indirect_dma semaphore(%arg10 : memref<!tpu.dma_semaphore, #tpu.memory_space<semaphore_mem>>) src(%dma_wait3A_39 : memref<10000x8xf32, #tpu.memory_space<hbm>>) dst(%arg9 : memref<2000x8xf32, #tpu.memory_space<vmem>>)
      %scan3A_40 = arith.constant 0 : i32
      %scan3A_41 = arith.constant 0 : i32
      %scan3A_42 = arith.constant 250 : i32
      %scan3A_43 = arith.addi %scan3A_41, %scan3A_42 : i32
      %scan3A_44 = arith.constant 1 : i32
      %scan3A_45 = scf.for %scan3A_48 = %scan3A_41 to %scan3A_43 step %scan3A_44 iter_args(%scan3A_49 = %scan3A_40) -> (i32)  : i32 {
        %mul3A_50 = arith.constant 4 : i32
        %mul3A_51 = arith.muli %mul3A_50, %scan3A_48 : i32
        %add3A_52 = arith.constant 0 : i32
        %add3A_53 = arith.addi %mul3A_51, %add3A_52 : i32
        %mul3A_54 = arith.constant 2 : i32
        %mul3A_55 = arith.muli %mul3A_54, %add3A_53 : i32
        %add3A_56 = vector.broadcast %mul3A_55 : i32 to vector<16xi32>
        %add3A_57 = arith.addi %add3A_56, %and3A_6 : vector<16xi32>
        %add3A_58 = vector.broadcast %mul3A_55 : i32 to vector<16xi32>
        %add3A_59 = arith.addi %add3A_58, %sub3A_8 : vector<16xi32>
        %gather3A = tpu.vector_load_idx %arg8[%add3A_57] : memref<2000xi32, #tpu.memory_space<vmem>>[vector<16xi32>], vector<16xi32>,
        %gather3A_60 = tpu.vector_load_idx %arg8[%add3A_59] : memref<2000xi32, #tpu.memory_space<vmem>>[vector<16xi32>], vector<16xi32>,
        %gather3A_61 = tpu.vector_load_idx %arg9[%add3A_57, %and3A_1] : memref<2000x8xf32, #tpu.memory_space<vmem>>[vector<16xi32>, vector<16xi32>], vector<16xf32>,
        %gather3A_62 = tpu.vector_load_idx %arg9[%add3A_59, %and3A_1] : memref<2000x8xf32, #tpu.memory_space<vmem>>[vector<16xi32>, vector<16xi32>], vector<16xf32>,
        %eq3A = arith.cmpi eq, %gather3A, %gather3A_60 : vector<16xi32>
        %max3A = arith.maximumf %gather3A_61, %gather3A_62 : vector<16xf32>
        %select_n3A = arith.select %eq3A, %max3A, %gather3A_61 : vector<16xi1>, vector<16xf32>
        %mul3A_63 = arith.constant 8 : i32
        %mul3A_64 = vector.broadcast %mul3A_63 : i32 to vector<16xi32>
        %mul3A_65 = arith.muli %gather3A, %mul3A_64 : vector<16xi32>
        %add3A_66 = arith.addi %mul3A_65, %and3A_1 : vector<16xi32>
        %gather3A_67 = tpu.vector_load_idx %arg6[%add3A_66] : memref<80000xf32, #tpu.memory_space<vmem>>[vector<16xi32>], vector<16xf32>,
        %max3A_68 = arith.maximumf %gather3A_67, %select_n3A : vector<16xf32>
        tpu.vector_store_idx %arg6[%add3A_66], %max3A_68 : memref<80000xf32, #tpu.memory_space<vmem>>[vector<16xi32>], vector<16xf32>,
        %mul3A_69 = arith.constant 4 : i32
        %mul3A_70 = arith.muli %mul3A_69, %scan3A_48 : i32
        %add3A_71 = arith.constant 1 : i32
        %add3A_72 = arith.addi %mul3A_70, %add3A_71 : i32
        %mul3A_73 = arith.constant 2 : i32
        %mul3A_74 = arith.muli %mul3A_73, %add3A_72 : i32
        %add3A_75 = vector.broadcast %mul3A_74 : i32 to vector<16xi32>
        %add3A_76 = arith.addi %add3A_75, %and3A_6 : vector<16xi32>
        %add3A_77 = vector.broadcast %mul3A_74 : i32 to vector<16xi32>
        %add3A_78 = arith.addi %add3A_77, %sub3A_8 : vector<16xi32>
        %gather3A_79 = tpu.vector_load_idx %arg8[%add3A_76] : memref<2000xi32, #tpu.memory_space<vmem>>[vector<16xi32>], vector<16xi32>,
        %gather3A_80 = tpu.vector_load_idx %arg8[%add3A_78] : memref<2000xi32, #tpu.memory_space<vmem>>[vector<16xi32>], vector<16xi32>,
        %gather3A_81 = tpu.vector_load_idx %arg9[%add3A_76, %and3A_1] : memref<2000x8xf32, #tpu.memory_space<vmem>>[vector<16xi32>, vector<16xi32>], vector<16xf32>,
        %gather3A_82 = tpu.vector_load_idx %arg9[%add3A_78, %and3A_1] : memref<2000x8xf32, #tpu.memory_space<vmem>>[vector<16xi32>, vector<16xi32>], vector<16xf32>,
        %eq3A_83 = arith.cmpi eq, %gather3A_79, %gather3A_80 : vector<16xi32>
        %max3A_84 = arith.maximumf %gather3A_81, %gather3A_82 : vector<16xf32>
        %select_n3A_85 = arith.select %eq3A_83, %max3A_84, %gather3A_81 : vector<16xi1>, vector<16xf32>
        %mul3A_86 = arith.constant 8 : i32
        %mul3A_87 = vector.broadcast %mul3A_86 : i32 to vector<16xi32>
        %mul3A_88 = arith.muli %gather3A_79, %mul3A_87 : vector<16xi32>
        %add3A_89 = arith.addi %mul3A_88, %and3A_1 : vector<16xi32>
        %gather3A_90 = tpu.vector_load_idx %arg6[%add3A_89] : memref<80000xf32, #tpu.memory_space<vmem>>[vector<16xi32>], vector<16xf32>,
        %max3A_91 = arith.maximumf %gather3A_90, %select_n3A_85 : vector<16xf32>
        tpu.vector_store_idx %arg6[%add3A_89], %max3A_91 : memref<80000xf32, #tpu.memory_space<vmem>>[vector<16xi32>], vector<16xf32>,
        %mul3A_92 = arith.constant 4 : i32
        %mul3A_93 = arith.muli %mul3A_92, %scan3A_48 : i32
        %add3A_94 = arith.constant 2 : i32
        %add3A_95 = arith.addi %mul3A_93, %add3A_94 : i32
        %mul3A_96 = arith.constant 2 : i32
        %mul3A_97 = arith.muli %mul3A_96, %add3A_95 : i32
        %add3A_98 = vector.broadcast %mul3A_97 : i32 to vector<16xi32>
        %add3A_99 = arith.addi %add3A_98, %and3A_6 : vector<16xi32>
        %add3A_100 = vector.broadcast %mul3A_97 : i32 to vector<16xi32>
        %add3A_101 = arith.addi %add3A_100, %sub3A_8 : vector<16xi32>
        %gather3A_102 = tpu.vector_load_idx %arg8[%add3A_99] : memref<2000xi32, #tpu.memory_space<vmem>>[vector<16xi32>], vector<16xi32>,
        %gather3A_103 = tpu.vector_load_idx %arg8[%add3A_101] : memref<2000xi32, #tpu.memory_space<vmem>>[vector<16xi32>], vector<16xi32>,
        %gather3A_104 = tpu.vector_load_idx %arg9[%add3A_99, %and3A_1] : memref<2000x8xf32, #tpu.memory_space<vmem>>[vector<16xi32>, vector<16xi32>], vector<16xf32>,
        %gather3A_105 = tpu.vector_load_idx %arg9[%add3A_101, %and3A_1] : memref<2000x8xf32, #tpu.memory_space<vmem>>[vector<16xi32>, vector<16xi32>], vector<16xf32>,
        %eq3A_106 = arith.cmpi eq, %gather3A_102, %gather3A_103 : vector<16xi32>
        %max3A_107 = arith.maximumf %gather3A_104, %gather3A_105 : vector<16xf32>
        %select_n3A_108 = arith.select %eq3A_106, %max3A_107, %gather3A_104 : vector<16xi1>, vector<16xf32>
        %mul3A_109 = arith.constant 8 : i32
        %mul3A_110 = vector.broadcast %mul3A_109 : i32 to vector<16xi32>
        %mul3A_111 = arith.muli %gather3A_102, %mul3A_110 : vector<16xi32>
        %add3A_112 = arith.addi %mul3A_111, %and3A_1 : vector<16xi32>
        %gather3A_113 = tpu.vector_load_idx %arg6[%add3A_112] : memref<80000xf32, #tpu.memory_space<vmem>>[vector<16xi32>], vector<16xf32>,
        %max3A_114 = arith.maximumf %gather3A_113, %select_n3A_108 : vector<16xf32>
        tpu.vector_store_idx %arg6[%add3A_112], %max3A_114 : memref<80000xf32, #tpu.memory_space<vmem>>[vector<16xi32>], vector<16xf32>,
        %mul3A_115 = arith.constant 4 : i32
        %mul3A_116 = arith.muli %mul3A_115, %scan3A_48 : i32
        %add3A_117 = arith.constant 3 : i32
        %add3A_118 = arith.addi %mul3A_116, %add3A_117 : i32
        %mul3A_119 = arith.constant 2 : i32
        %mul3A_120 = arith.muli %mul3A_119, %add3A_118 : i32
        %add3A_121 = vector.broadcast %mul3A_120 : i32 to vector<16xi32>
        %add3A_122 = arith.addi %add3A_121, %and3A_6 : vector<16xi32>
        %add3A_123 = vector.broadcast %mul3A_120 : i32 to vector<16xi32>
        %add3A_124 = arith.addi %add3A_123, %sub3A_8 : vector<16xi32>
        %gather3A_125 = tpu.vector_load_idx %arg8[%add3A_122] : memref<2000xi32, #tpu.memory_space<vmem>>[vector<16xi32>], vector<16xi32>,
        %gather3A_126 = tpu.vector_load_idx %arg8[%add3A_124] : memref<2000xi32, #tpu.memory_space<vmem>>[vector<16xi32>], vector<16xi32>,
        %gather3A_127 = tpu.vector_load_idx %arg9[%add3A_122, %and3A_1] : memref<2000x8xf32, #tpu.memory_space<vmem>>[vector<16xi32>, vector<16xi32>], vector<16xf32>,
        %gather3A_128 = tpu.vector_load_idx %arg9[%add3A_124, %and3A_1] : memref<2000x8xf32, #tpu.memory_space<vmem>>[vector<16xi32>, vector<16xi32>], vector<16xf32>,
        %eq3A_129 = arith.cmpi eq, %gather3A_125, %gather3A_126 : vector<16xi32>
        %max3A_130 = arith.maximumf %gather3A_127, %gather3A_128 : vector<16xf32>
        %select_n3A_131 = arith.select %eq3A_129, %max3A_130, %gather3A_127 : vector<16xi1>, vector<16xf32>
        %mul3A_132 = arith.constant 8 : i32
        %mul3A_133 = vector.broadcast %mul3A_132 : i32 to vector<16xi32>
        %mul3A_134 = arith.muli %gather3A_125, %mul3A_133 : vector<16xi32>
        %add3A_135 = arith.addi %mul3A_134, %and3A_1 : vector<16xi32>
        %gather3A_136 = tpu.vector_load_idx %arg6[%add3A_135] : memref<80000xf32, #tpu.memory_space<vmem>>[vector<16xi32>], vector<16xf32>,
        %max3A_137 = arith.maximumf %gather3A_136, %select_n3A_131 : vector<16xf32>
        tpu.vector_store_idx %arg6[%add3A_135], %max3A_137 : memref<80000xf32, #tpu.memory_space<vmem>>[vector<16xi32>], vector<16xf32>,
        %scan3A_138 = arith.constant 0 : i32
        scf.yield %scan3A_138 : i32
      }
      %scan3A_46 = arith.constant 250 : i32
      %scan3A_47 = arith.constant 0 : i32
      scf.yield %scan3A_47 : i32
    }
    %scan3A_22 = arith.constant 80 : i32
    "tpu.region"() ({
      %run_scoped3A = tpu.sem_alloc : memref<!tpu.dma_semaphore, #tpu.memory_space<semaphore_mem>>
      %dma_start3A = arith.constant 0 : i32
      %dma_start3A_23 = tpu.memref_slice %arg5[%arg0, %arg1, %dma_start3A] : memref<2x16x80000xf32, #tpu.memory_space<hbm>> -> memref<1x1x80000xf32, #tpu.memory_space<hbm>>
      %dma_start3A_24 = tpu.memref_squeeze %dma_start3A_23 : memref<1x1x80000xf32, #tpu.memory_space<hbm>> -> memref<80000xf32, #tpu.memory_space<hbm>>
      %dma_start3A_25 = arith.constant 0 : i32
      %dma_start3A_26 = tpu.memref_slice %arg5[%arg0, %arg1, %dma_start3A_25] : memref<2x16x80000xf32, #tpu.memory_space<hbm>> -> memref<1x1x80000xf32, #tpu.memory_space<hbm>>
      %dma_start3A_27 = tpu.memref_squeeze %dma_start3A_26 : memref<1x1x80000xf32, #tpu.memory_space<hbm>> -> memref<80000xf32, #tpu.memory_space<hbm>>
      tpu.enqueue_dma source(%arg6 : memref<80000xf32, #tpu.memory_space<vmem>>) target(%dma_start3A_27 : memref<80000xf32, #tpu.memory_space<hbm>>) target_semaphore(%run_scoped3A : memref<!tpu.dma_semaphore, #tpu.memory_space<semaphore_mem>>)
      %dma_wait3A = arith.constant 0 : i32
      %dma_wait3A_28 = tpu.memref_slice %arg5[%arg0, %arg1, %dma_wait3A] : memref<2x16x80000xf32, #tpu.memory_space<hbm>> -> memref<1x1x80000xf32, #tpu.memory_space<hbm>>
      %dma_wait3A_29 = tpu.memref_squeeze %dma_wait3A_28 : memref<1x1x80000xf32, #tpu.memory_space<hbm>> -> memref<80000xf32, #tpu.memory_space<hbm>>
      %dma_wait3A_30 = arith.constant 0 : i32
      %dma_wait3A_31 = tpu.memref_slice %arg5[%arg0, %arg1, %dma_wait3A_30] : memref<2x16x80000xf32, #tpu.memory_space<hbm>> -> memref<1x1x80000xf32, #tpu.memory_space<hbm>>
      %dma_wait3A_32 = tpu.memref_squeeze %dma_wait3A_31 : memref<1x1x80000xf32, #tpu.memory_space<hbm>> -> memref<80000xf32, #tpu.memory_space<hbm>>
      tpu.wait_dma2 semaphore(%run_scoped3A : memref<!tpu.dma_semaphore, #tpu.memory_space<semaphore_mem>>) src(%arg6 : memref<80000xf32, #tpu.memory_space<vmem>>) dst(%dma_wait3A_32 : memref<80000xf32, #tpu.memory_space<hbm>>)
      tpu.yield
    }) : () -> ()
    return
  }
}

</mosaic_0001>

<sc_bundles>
// kernel: kernel.11.cloned.1.call-start
scs
__scs_entry_jumppad:
0x0: {  	(pc) =	sbr.rel $0x88, $3  }
0x1: {  	(tag) =	ssettag $0x0;
	lr =	simm.s32 $0x1  }
0x2: {  	[smem:$0x3F97] =	sst lr;
	_ =	strace $0xD0000000  }
0x3: {  	_ = 	snop  }
0x4: {  	_ = 	snop  }
0x5: {  	_ = 	snop  }
0x6: {  	_ = 	snop  }
0x7: {  	_ = 	snop  }
__scs_overlays_trampoline_lowered:
0x8: {  	[smem:$0x3FA6] =	sst s0  }
0x9: {  	[smem:$0x3FA7] =	sst s1  }
0xa: {  	[smem:$0x3FA8] =	sst s2  }
0xb: {  	[smem:$0x3FA9] =	sst s3  }
0xc: {  	[smem:$0x3FAA] =	sst s4  }
0xd: {  	[smem:$0x3FAB] =	sst s5  }
0xe: {  	[smem:$0x3FAC] =	sst s6  }
0xf: {  	[smem:$0x3FAD] =	sst s7  }
0x10: {  	[smem:$0x3FAE] =	sst s8  }
0x11: {  	[smem:$0x3FAF] =	sst s9;
	s0 =	simm.s32 @!p0 $0x0  }
0x12: {  	s1 =	sld [smem:$0x3F95];
	s0 =	simm.s32 @p0 $0x1  }
0x13: {  	[smem:$0x3FB0] =	sst s0;
	s0 =	simm.s32 @!p1 $0x0  }
0x14: {  	s2 =	sld [smem:$0x3F94];
	s0 =	simm.s32 @p1 $0x1  }
0x15: {  	[smem:$0x3FB1] =	sst s0;
	s0 =	simm.s32 @!p2 $0x0  }
0x16: {  	s3 =	sld [smem:$0x3FDB];
	s0 =	simm.s32 @p2 $0x1  }
0x17: {  	s4 =	simm.s32 $0x1BF5;
	[smem:$0x3FB3] =	sst s0  }
0x18: {  	s0 =	sld [smem:$0x3F96];
	_ =	swait.ge [sflag:s4], $0x0  }
0x19: {  	s7 =	sld [smem:$0x3F97]  }
0x1a: {  	s8 =	sadd.s32 $0xFFFFE003, lr  }
0x1b: {  	s9 =	sadd.s32 $0xFFFFFEF7, lr;
	s5 =	simm.s32 $0xFFFFFFFF;
	p2 =	slt.u32 s8, $0xFFFFF086  }
0x1c: {  	p1 =	slt.u32 s9, $0xF7A;
	s5 =	simm.s32 @!p2 $0x0  }
0x1d: {  	s5 =	simm.s32 @p1 $0x1;
	p0 =	seq.s32 s7, s2  }
0x1e: {  	s7 =	smul.u32 @!p0 $0xF7A, s2;
	p2 =	seq.s32 @!p0 s5, $0x0  }
0x1f: {  	s9 =	smul.u32 $0xF7A, s1;
	s8 =	simm.s32 @!p0 $0x1BF5;
	p2 =	por !p2, p0  }
0x20: {  	[sflag:s8] =	ssyncset.s32 @!p0 $0xFFFFF086;
	s6 =	sadd.s32 @!p0 s3, s7;
	s7 =	simm.s32 @!p0 $0x108  }
0x21: {  	s3 =	sadd.s32 s3, s9;
	s6 =	sadd.s32 @!p0 $0x88, s6;
	s7 =	simm.s32 @p2 $0x1082  }
0x22: {  	[simem:s7], [sflag:s8] =	dma.local @!p0 [hbm:s6], $0xF7A  }
0x23: {  	s9 =	sor.u32 $0xD0000000, s2;
	s6 =	simm.s32 $0x108;
	_ =	swait.ge @!p0 [sflag:s8], $0x0  }
0x24: {  	s3 =	sadd.s32 $0x88, s3;
	s6 =	simm.s32 @!p1 $0x1082;
	[sflag:s4] =	ssyncset.s32 $0xFFFFF086  }
0x25: {  	[simem:s6], [sflag:s4] =	dma.local [hbm:s3], $0xF7A  }
0x26: {  	[smem:$0x3F97] =	sst s1;
	(tag) =	ssettag s2;
	_ =	strace s9  }
0x27: {  	s1 =	sld [smem:$0x3FA7]  }
0x28: {  	s2 =	sld [smem:$0x3FA8]  }
0x29: {  	s4 =	sld [smem:$0x3FAA]  }
0x2a: {  	p0 =	seq.s32 s5, $0x0;
	s5 =	sld [smem:$0x3FAB]  }
0x2b: {  	s6 =	sld [smem:$0x3FAC]  }
0x2c: {  	s7 =	sld [smem:$0x3FAD]  }
0x2d: {  	s3 =	simm.s32 $0x108;
	s8 =	sld [smem:$0x3FAE]  }
0x2e: {  	s3 =	simm.s32 @!p0 $0x1082;
	s9 =	sld [smem:$0x3FAF]  }
0x2f: {  	lr =	sadd.s32 s0, s3;
	s0 =	sld [smem:$0x3FA6]  }
0x30: {  	s3 =	sld [smem:$0x3FA9]  }
0x31: {  	[smem:$0x3FB2] =	sst s10  }
0x32: {  	s10 =	sld [smem:$0x3FB0];
	_ =	sdelay $0x3  }
0x33: {  	p0 =	seq.s32 s10, $0x1;
	s10 =	sld [smem:$0x3FB2];
	_ =	sdelay $0x3  }
0x34: {  	[smem:$0x3FB2] =	sst s10  }
0x35: {  	s10 =	sld [smem:$0x3FB1];
	_ =	sdelay $0x3  }
0x36: {  	p1 =	seq.s32 s10, $0x1;
	s10 =	sld [smem:$0x3FB2];
	_ =	sdelay $0x3  }
0x37: {  	[smem:$0x3FB2] =	sst s10  }
0x38: {  	s10 =	sld [smem:$0x3FB3]  }
0x39: {  	_ = 	snop;
	(pc) =	sbr.ind lr, $3  }
0x3a: {  	_ = 	snop  }
0x3b: {  	_ = 	snop  }
0x3c: {  	p2 =	seq.s32 s10, $0x1;
	s10 =	sld [smem:$0x3FB2]  }
0x3d: {  	_ =	shalt  }
0x3e: {  	_ =	shalt  }
0x3f: {  	_ =	shalt  }
0x40: {  	_ =	shalt  }
0x41: {  	_ =	shalt  }
0x42: {  	_ =	shalt  }
0x43: {  	_ =	shalt  }
0x44: {  	_ =	shalt  }
0x45: {  	_ =	shalt  }
0x46: {  	_ =	shalt  }
0x47: {  	_ =	shalt  }
0x48: {  	_ =	shalt  }
0x49: {  	_ =	shalt  }
0x4a: {  	_ =	shalt  }
0x4b: {  	_ =	shalt  }
0x4c: {  	_ =	shalt  }
0x4d: {  	_ =	shalt  }
0x4e: {  	_ =	shalt  }
0x4f: {  	_ =	shalt  }
0x50: {  	_ =	shalt  }
0x51: {  	_ =	shalt  }
0x52: {  	_ =	shalt  }
0x53: {  	_ =	shalt  }
0x54: {  	_ =	shalt  }
0x55: {  	_ =	shalt  }
0x56: {  	_ =	shalt  }
0x57: {  	_ =	shalt  }
0x58: {  	_ =	shalt  }
0x59: {  	_ =	shalt  }
0x5a: {  	_ =	shalt  }
0x5b: {  	_ =	shalt  }
0x5c: {  	_ =	shalt  }
0x5d: {  	_ =	shalt  }
0x5e: {  	_ =	shalt  }
0x5f: {  	_ =	shalt  }
0x60: {  	_ =	shalt  }
0x61: {  	_ =	shalt  }
0x62: {  	_ =	shalt  }
0x63: {  	_ =	shalt  }
0x64: {  	_ =	shalt  }
0x65: {  	_ =	shalt  }
0x66: {  	_ =	shalt  }
0x67: {  	_ =	shalt  }
0x68: {  	_ =	shalt  }
0x69: {  	_ =	shalt  }
0x6a: {  	_ =	shalt  }
0x6b: {  	_ =	shalt  }
0x6c: {  	_ =	shalt  }
0x6d: {  	_ =	shalt  }
0x6e: {  	_ =	shalt  }
0x6f: {  	_ =	shalt  }
0x70: {  	_ =	shalt  }
0x71: {  	_ =	shalt  }
0x72: {  	_ =	shalt  }
0x73: {  	_ =	shalt  }
0x74: {  	_ =	shalt  }
0x75: {  	_ =	shalt  }
0x76: {  	_ =	shalt  }
0x77: {  	_ =	shalt  }
0x78: {  	_ =	shalt  }
0x79: {  	_ =	shalt  }
0x7a: {  	_ =	shalt  }
0x7b: {  	_ =	shalt  }
0x7c: {  	_ =	shalt  }
0x7d: {  	_ =	shalt  }
0x7e: {  	_ =	shalt  }
0x7f: {  	_ =	shalt  }
0x80: {  	_ =	shalt  }
0x81: {  	_ =	shalt  }
0x82: {  	_ =	shalt  }
0x83: {  	_ =	shalt  }
0x84: {  	_ =	shalt  }
0x85: {  	_ =	shalt  }
0x86: {  	_ =	shalt  }
0x87: {  	_ =	shalt  }
.Lfunc_end0:
.L_simem_size_0:
called_computation.2_lowered:
.L_overlay_start_0:
0x88: {  	s2 =	sld [smem:$0x3FD9]  }
0x89: {  	s3 =	sld [smem:$0x3FFE];
	_ =	sdelay $0x1  }
0x8a: {  	s1 =	srdreg.scid  }
0x8b: {  	s0 =	sand.u32 $0x1, s1  }
0x8c: {  	s17 =	sshll.u32 s0, $0xA;
	s2 =	sadd.s32 s3, s2  }
0x8d: {  	s2 =	sadd.s32 s2, s17  }
0x8e: {  	[smem:$0x3FBE] =	sst s2  }
0x8f: {  	_ = 	snop  }
0x90: {  	s2 =	sld [smem:$0x3FD0];
	(tm) =	ssettm $0x1  }
0x91: {  	s18 =	sld [smem:$0x3FFB];
	_ =	sdelay $0x3  }
0x92: {  	_ =	strace s18  }
0x93: {  	s3 =	sld [smem:$0x3FFC];
	_ =	sdelay $0x3  }
0x94: {  	_ =	strace s3  }
0x95: {  	s3 =	sld [smem:$0x3FFD];
	_ =	sdelay $0x3  }
0x96: {  	_ =	strace s3  }
0x97: {  	_ =	strace $0x8FFFFFFF  }
0x98: {  	s19 =	sld [smem:$0x3FDB];
	_ =	sdelay $0x1  }
0x99: {  	s4 =	simm.s32 $_scs_section_size  }
0x9a: {  	s5 =	simm.s32 $_size__tile_overlayer_lowered;
	s6 =	simm.s32 $_tile_overlayer_lowered  }
0x9b: {  	s22 =	simm.s32 $0x1BFF;
	s21 =	sshll.u32 s6, $0x1;
	s3 =	sadd.s32 s4, s19  }
0x9c: {  	s7 =	simm.s32 $0x0;
	s20 =	sshll.u32 s5, $0x1;
	s5 =	sadd.s32 s21, s3  }
0x9d: {  	[timem:s7], [sflag:s22] =	dma.local [hbm:s5], s20  }
0x9e: {  	_ =	swait.ge [sflag:s22], s20  }
0x9f: {  	s4 =	ssub.s32 $0x0, s20;
	[sflag:s22] =	ssyncset.done $0x0  }
0xa0: {  	[sflag:s22] =	ssyncadd.s32 s4;
	_ =	sdelay $0x1  }
0xa1: {  	s23 =	simm.s32 $0x1B8B  }
0xa2: {  	_ =	swait.ge [sflag:s23], $0x1  }
0xa3: {  	[sflag:s23] =	ssyncset.done $0x0  }
0xa4: {  	s25 =	simm.s32 $0x1B8E;
	s24 =	sld [smem:$0x3FFE];
	[sflag:s23] =	ssyncadd.s32 $0xFFFFFFFF  }
0xa5: {  	s26 =	simm.s32 $execute0_lowered;
	[smem:$0x3FD2] =	sst s25  }
0xa6: {  	s5 =	sshll.u32 s26, $0x1;
	_ =	strace $0x8000004C;
	[dreg:$0x1] =	wrdreg $0xFFFFFFFF  }
0xa7: {  	s28 =	simm.s32 $_size_execute0_lowered;
	s3 =	sadd.s32 s3, s5;
	[dreg:$0x0] =	wrdreg $0x0  }
0xa8: {  	s5 =	sshll.u32 s28, $0x1;
	[dreg:$0x2] =	wrdreg s3  }
0xa9: {  	[dreg:$0x3] =	wrdreg s5  }
0xaa: {  	[dreg:$0x4] =	wrdreg $0xC0  }
0xab: {  	_ =	task [dreg:s7], $0x5FFFF  }
0xac: {  	[dreg:$0x1] =	wrdreg $0xFFFFFFFF  }
0xad: {  	[dreg:$0x0] =	wrdreg $0x60  }
0xae: {  	[dreg:$0x2] =	wrdreg s2  }
0xaf: {  	[dreg:$0x3] =	wrdreg s24  }
0xb0: {  	[dreg:$0x4] =	wrdreg $0x9  }
0xb1: {  	_ =	task.clear_ibuf [dreg:s7], $0x5FFFF;
	_ =	strace $0x9000004C  }
0xb2: {  	s29 =	simm.s32 $0x9;
	_ =	strace $0x8000004E  }
0xb3: {  	_ =	swait.ge [sflag:s29], $0x1  }
0xb4: {  	[sflag:s29] =	ssyncadd.s32 $0xFFFFFFFF  }
0xb5: {  	_ =	strace $0x9000004E  }
0xb6: {  	_ =	sfence  }
0xb7: {  	s30 =	sld [smem:$0x0];
	_ =	sdelay $0x2  }
0xb8: {  	s31 =	sshll.u32 s1, $0xD;
	s1 =	sshrl.u32 s1, $0x2  }
0xb9: {  	s3 =	sand.u32 $0x4000, s31;
	s1 =	sadd.s32 s1, s30  }
0xba: {  	s0 =	sor.u32 s3, s0;
	s1 =	sshll.u32 s1, $0x11  }
0xbb: {  	s0 =	sor.u32 s1, s0  }
0xbc: {  	s0 =	sadd.s32 $0x8F2B, s0  }
0xbd: {  	[sflag:s0] =	ssyncadd.remote.s32 $0x1  }
0xbe: {  	_ =	sfence.sel $0xFFFF  }
0xbf: {  	[dreg:$0x0] =	wrdreg $0xFFFFFFFF;
	(pc) =	sbr.abs _section_cstart, $3  }
0xc0: {  	[dreg:$0x1] =	wrdreg $0xFFFFFFFF  }
0xc1: {  	_ =	task.clear_ibuf [dreg:s7], $0x2FFFF;
	_ =	strace $0x9FFFFFFF  }
0xc2: {  	(tm) =	ssettm $0x7FFFFFFF  }
0xc3: {  	_ =	shalt  }
tec
execute0_lowered:
.L_overlay_start_1:
0x0: {  	(tag) =	ssettag $0x1  }
0x1: {  	s6 =	rddreg [dreg:$0x0];
	s0 =	srdreg.scid  }
0x2: {  	s5 =	rddreg [dreg:$0x1];
	s1 =	stileid.u32  }
0x3: {  	s2 =	simm.s32 $0x0;
	s11 =	simm.s32 $0x14050;
	s12 =	simm.s32 $0x7D0  }
0x4: {  	s13 =	simm.s32 $0x14820;
	s14 =	simm.s32 $0x1;
	s8 =	smul.u32 $0x13880, s1  }
0x5: {  	s7 =	sand.u32 $0x1, s0;
	s0 =	rddreg [dreg:$0x2];
	s10 =	smul.u32 $0x2710, s1  }
0x6: {  	s15 =	simm.s32 $0x0;
	[smem:$0x7FF] =	sst s2;
	s4 =	smul.u32 $0x138800, s7  }
0x7: {  	v3 =	vlaneseq.u32;
	s3 =	sadd.s32 $0x58A00, s5;
	_ =	strace $0x8000004D;
	s9 =	ssub.s32 $0x2, s7  }
0x8: {  	v0 =	vshrl.u32 v3, $0x3;
	s31 =	sshrl.u32 s9, $0x1;
	s6 =	sadd.s32 s6, s10;
	s4 =	sadd.s32 s8, s4  }
0x9: {  	v2 =	vmul.u32 $0xFFFFFFFF, v0;
	s10 =	simm.s32 $0x2;
	s9 =	ssub.s32 s9, s31;
	s8 =	sshrl.u32 s4, $0x3  }
0xa: {  	s4 =	sadd.s32 $0x4EC00, s5;
	s8 =	sadd.s32 s8, s5;
	s5 =	smul.u32 $0x27100, s7  }
0xb: {  	v1 =	vimm.f32 $-Inf;
	v3 =	vand.u32 $0x7, v3;
	v2 =	vadd.s32 $0x1, v2;
	s7 =	sadd.s32 $0xA00, s8;
	s8 =	smax.u32 s9, $0x1;
	s9 =	simm.s32 $0x13880  }
.LBB2_1:
0xc: {  	s16 =	simm.s32 $0x0  }
.LBB2_2:
0xd: {  	p0 =	sne.s32 s16, $0x4E1C0  }
.Ltmp0:
0xe: {  	_ = 	snop;
	(pc) =	sbr.rel @p0 .LBB2_2-.Ltmp0, $3  }
0xf: {  	_ =	sdelay $0x1  }
0x10: {  	s17 =	sshra.s32 s16, $0x2  }
0x11: {  	s16 =	sadd.s32 $0x40, s16;
	[tilespmem:s17+$0x0] =	vst v1  }
0x12: {  	s16 =	simm.s32 $0x0  }
.LBB2_4:
0x13: {  	s17 =	smul.u32 $0x7D0, s16;
	_ =	sdelay $0x1  }
0x14: {  	s17 =	sadd.s32 s5, s17  }
0x15: {  	s17 =	sshrl.u32 s17, $0x3  }
0x16: {  	s18 =	sadd.s32 s3, s17  }
0x17: {  	[tilespmem:s9], [sflag:$0x2] =	stream.linear.gather [hbm4b:s18+s2], $0x7D0, $0x38;
	[tilespmem:$0x186A0] =	vst v63  }
0x18: {  	_ =	swait.ge [sflag:s10], $0x7D0  }
0x19: {  	[sflag:s10] =	ssyncset.done $0x0  }
0x1a: {  	s17 =	sadd.s32 s4, s17;
	[sflag:s10] =	ssyncadd.s32 $0xFFFFF830  }
0x1b: {  	[tilespmem:s11], [sflag:$0x2] =	stream.linear.gather [hbm4b:s17+s2], $0x7D0, $0x38;
	[tilespmem:$0x186A0] =	vst v63  }
0x1c: {  	_ =	swait.ge [sflag:s10], $0x7D0  }
0x1d: {  	[sflag:s10] =	ssyncset.done $0x0  }
0x1e: {  	[sflag:s10] =	ssyncadd.s32 $0xFFFFF830  }
0x1f: {  	[tilespmem:s13], [sflag:$0x1] =	stream.indirect.gather [hbm4b:s6+s12], $0x8, s9, s12, $0xb8;
	[tilespmem:$0x186A0] =	vst v63  }
0x20: {  	_ =	swait.ge [sflag:s14], $0x3E80  }
0x21: {  	[sflag:s14] =	ssyncset.done $0x0  }
0x22: {  	s17 =	simm.s32 $0x6;
	[sflag:s14] =	ssyncadd.s32 $0xFFFFC180  }
.LBB2_5:
0x23: {  	s18 =	sadd.s32 $0xFFFFFFFA, s17  }
0x24: {  	v4 =	vor.u32 s18, v0;
	_ =	sdelay $0x4  }
0x25: {  	v5 =	vld.idx.msk [tilespmem:v4+s11+$0x0], $0xffff  }
0x26: {  	v6 =	vor.u32 s18, v2  }
0x27: {  	v7 =	vshll.u32 v6, $0x3  }
0x28: {  	v7 =	vor.u32 v3, v7;
	v4 =	vshll.u32 v4, $0x3  }
0x29: {  	v4 =	vor.u32 v3, v4  }
0x2a: {  	v8 =	vshll.u32 v5, $0x3  }
0x2b: {  	v8 =	vor.u32 v3, v8  }
0x2c: {  	v6 =	vld.idx.msk [tilespmem:v6+s11+$0x0], $0xffff  }
0x2d: {  	v7 =	vld.idx.msk [tilespmem:v7+s13+$0x0], $0xffff  }
0x2e: {  	v4 =	vld.idx.msk [tilespmem:v4+s13+$0x0], $0xffff;
	_ =	sdelay $0x1  }
0x2f: {  	v9 =	vld.idx.msk [tilespmem:v8+s2+$0x0], $0xffff  }
0x30: {  	s30 =	sadd.s32 $0xFFFFFFFC, s17  }
0x31: {  	v10 =	vor.u32 s30, v0  }
0x32: {  	vm0 =	veq.s32 v5, v6;
	v5 =	vmax.f32 v4, v7  }
0x33: {  	v4 =	vsel vm0, v5, v4  }
0x34: {  	v4 =	vmax.f32 v9, v4  }
0x35: {  	[tilespmem:v8+s2+$0x0] =	vst.idx.msk $0xffff, v4  }
0x36: {  	v4 =	vld.idx.msk [tilespmem:v10+s11+$0x0], $0xffff;
	_ =	sdelay $0x1  }
0x37: {  	v50 =	vshll.u32 v10, $0x3;
	v5 =	vor.u32 s30, v2  }
0x38: {  	v6 =	vor.u32 v3, v50;
	v51 =	vshll.u32 v5, $0x3  }
0x39: {  	v7 =	vor.u32 v3, v51  }
0x3a: {  	v52 =	vshll.u32 v4, $0x3  }
0x3b: {  	v8 =	vor.u32 v3, v52  }
0x3c: {  	v5 =	vld.idx.msk [tilespmem:v5+s11+$0x0], $0xffff  }
0x3d: {  	v6 =	vld.idx.msk [tilespmem:v6+s13+$0x0], $0xffff  }
0x3e: {  	v7 =	vld.idx.msk [tilespmem:v7+s13+$0x0], $0xffff;
	_ =	sdelay $0x1  }
0x3f: {  	v53 =	vld.idx.msk [tilespmem:v8+s2+$0x0], $0xffff  }
0x40: {  	s31 =	sadd.s32 $0xFFFFFFFE, s17  }
0x41: {  	v54 =	vor.u32 s31, v0  }
0x42: {  	vm13 =	veq.s32 v4, v5;
	v4 =	vmax.f32 v6, v7  }
0x43: {  	v4 =	vsel vm13, v4, v6  }
0x44: {  	v4 =	vmax.f32 v53, v4  }
0x45: {  	[tilespmem:v8+s2+$0x0] =	vst.idx.msk $0xffff, v4  }
0x46: {  	v4 =	vld.idx.msk [tilespmem:v54+s11+$0x0], $0xffff;
	_ =	sdelay $0x1  }
0x47: {  	v55 =	vshll.u32 v54, $0x3;
	v5 =	vor.u32 s31, v2  }
0x48: {  	v56 =	vshll.u32 v5, $0x3;
	v6 =	vor.u32 v3, v55  }
0x49: {  	v7 =	vor.u32 v3, v56  }
0x4a: {  	v57 =	vshll.u32 v4, $0x3  }
0x4b: {  	v8 =	vor.u32 v3, v57  }
0x4c: {  	v5 =	vld.idx.msk [tilespmem:v5+s11+$0x0], $0xffff  }
0x4d: {  	v6 =	vld.idx.msk [tilespmem:v6+s13+$0x0], $0xffff  }
0x4e: {  	v7 =	vld.idx.msk [tilespmem:v7+s13+$0x0], $0xffff;
	_ =	sdelay $0x1  }
0x4f: {  	v58 =	vld.idx.msk [tilespmem:v8+s2+$0x0], $0xffff;
	_ =	sdelay $0x1  }
0x50: {  	v59 =	vor.u32 s17, v0  }
0x51: {  	vm14 =	veq.s32 v4, v5;
	v4 =	vmax.f32 v6, v7  }
0x52: {  	v4 =	vsel vm14, v4, v6  }
0x53: {  	v4 =	vmax.f32 v58, v4  }
0x54: {  	[tilespmem:v8+s2+$0x0] =	vst.idx.msk $0xffff, v4  }
0x55: {  	v4 =	vld.idx.msk [tilespmem:v59+s11+$0x0], $0xffff;
	_ =	sdelay $0x1  }
0x56: {  	v60 =	vshll.u32 v59, $0x3;
	v5 =	vor.u32 s17, v2  }
0x57: {  	v6 =	vor.u32 v3, v60;
	v61 =	vshll.u32 v5, $0x3  }
0x58: {  	v7 =	vor.u32 v3, v61  }
0x59: {  	v62 =	vshll.u32 v4, $0x3  }
0x5a: {  	v8 =	vor.u32 v3, v62  }
0x5b: {  	v5 =	vld.idx.msk [tilespmem:v5+s11+$0x0], $0xffff  }
0x5c: {  	v6 =	vld.idx.msk [tilespmem:v6+s13+$0x0], $0xffff  }
0x5d: {  	v7 =	vld.idx.msk [tilespmem:v7+s13+$0x0], $0xffff;
	_ =	sdelay $0x1  }
0x5e: {  	v63 =	vld.idx.msk [tilespmem:v8+s2+$0x0], $0xffff  }
0x5f: {  	p0 =	sne.s32 s17, $0x7CE  }
.Ltmp1:
0x60: {  	_ = 	snop;
	(pc) =	sbr.rel @p0 .LBB2_5-.Ltmp1, $4  }
0x61: {  	vm15 =	veq.s32 v4, v5;
	v4 =	vmax.f32 v6, v7  }
0x62: {  	v4 =	vsel vm15, v4, v6  }
0x63: {  	v4 =	vmax.f32 v63, v4  }
0x64: {  	s17 =	sadd.s32 $0x8, s17;
	[tilespmem:v8+s2+$0x0] =	vst.idx.msk $0xffff, v4  }
0x65: {  	s16 =	sadd.s32 $0x1, s16  }
0x66: {  	p0 =	sne.s32 s16, $0x50  }
.Ltmp2:
0x67: {  	_ = 	snop;
	(pc) =	sbr.rel @p0 .LBB2_4-.Ltmp2, $1  }
0x68: {  	_ =	sdelay $0x3  }
0x69: {  	s15 =	sadd.s32 $0x1, s15  }
0x6a: {  	p0 =	sne.s32 s15, s8  }
.Ltmp3:
0x6b: {  	_ = 	snop;
	(pc) =	sbr.rel @p0 .LBB2_1-.Ltmp3, $4  }
0x6c: {  	[hbm4b:s7+s2] =	stream.linear.scatter [tilespmem:s2], [sflag:$0x2], $0x13880, $0x38;
	[tilespmem:$0x186A0] =	vst v63  }
0x6d: {  	_ =	swait.ge [sflag:s10], $0x13880  }
0x6e: {  	[sflag:s10] =	ssyncset.done $0x0  }
0x6f: {  	[sflag:s10] =	ssyncadd.s32 $0xFFFEC780  }
0x70: {  	_ =	sfence.sel $0x180000  }
0x71: {  	[bflag:$0x0] =	sbarrier.arrive $0xFFFF  }
0x72: {  	p0 =	sne.s32 s1, $0x0;
	_ =	strace $0x9000004D  }
0x73: {  	s0 =	sadd.s32 @!p0 $0x100000, s0;
	[bflag:$0x2] =	sbarrier.arrive $0xFFFF  }
0x74: {  	[sflag:s0] =	ssyncadd.tile.s32 @!p0 $0x1;
	_ =	shalt  }
.Lfunc_end2:
_tile_overlayer_lowered:
.L_overlay_start_2:
0x75: {  	(tag) =	ssettag $0x2  }
0x76: {  	s0 =	rddreg [dreg:$0x0];
	s2 =	stileid.u32  }
0x77: {  	s1 =	rddreg [dreg:$0x1];
	p0 =	sne.s32 s2, $0x0  }
0x78: {  	s3 =	rddreg [dreg:$0x2];
	[bflag:$0x3] =	sbarrier.arrive $0xFFFF;
	s2 =	simm.s32 @!p0 $0x1C02  }
0x79: {  	[timem:s3], [sflag:s2] =	dma.local @!p0 [hbm:s0], s1  }
0x7a: {  	s0 =	simm.s32 @!p0 $0x2  }
0x7b: {  	_ =	swait.ge @!p0 [sflag:s0], s1  }
0x7c: {  	s1 =	ssub.s32 @!p0 $0x0, s1;
	[sflag:s0] =	ssyncset.done @!p0 $0x0  }
0x7d: {  	[sflag:s0] =	ssyncadd.s32 @!p0 s1  }
0x7e: {  	[bflag:$0x3] =	sbarrier.arrive $0xFFFF  }
0x7f: {  	_ =	shalt  }

// kernel: kernel.5.cloned.1.call-start
scs
__scs_entry_jumppad:
0x0: {  	(pc) =	sbr.rel $0x88, $3  }
0x1: {  	(tag) =	ssettag $0x0;
	lr =	simm.s32 $0x1  }
0x2: {  	[smem:$0x3F97] =	sst lr;
	_ =	strace $0xD0000000  }
0x3: {  	_ = 	snop  }
0x4: {  	_ = 	snop  }
0x5: {  	_ = 	snop  }
0x6: {  	_ = 	snop  }
0x7: {  	_ = 	snop  }
__scs_overlays_trampoline_lowered:
0x8: {  	[smem:$0x3FA6] =	sst s0  }
0x9: {  	[smem:$0x3FA7] =	sst s1  }
0xa: {  	[smem:$0x3FA8] =	sst s2  }
0xb: {  	[smem:$0x3FA9] =	sst s3  }
0xc: {  	[smem:$0x3FAA] =	sst s4  }
0xd: {  	[smem:$0x3FAB] =	sst s5  }
0xe: {  	[smem:$0x3FAC] =	sst s6  }
0xf: {  	[smem:$0x3FAD] =	sst s7  }
0x10: {  	[smem:$0x3FAE] =	sst s8  }
0x11: {  	[smem:$0x3FAF] =	sst s9;
	s0 =	simm.s32 @!p0 $0x0  }
0x12: {  	s1 =	sld [smem:$0x3F95];
	s0 =	simm.s32 @p0 $0x1  }
0x13: {  	[smem:$0x3FB0] =	sst s0;
	s0 =	simm.s32 @!p1 $0x0  }
0x14: {  	s2 =	sld [smem:$0x3F94];
	s0 =	simm.s32 @p1 $0x1  }
0x15: {  	[smem:$0x3FB1] =	sst s0;
	s0 =	simm.s32 @!p2 $0x0  }
0x16: {  	s3 =	sld [smem:$0x3FDB];
	s0 =	simm.s32 @p2 $0x1  }
0x17: {  	s4 =	simm.s32 $0x1BF5;
	[smem:$0x3FB3] =	sst s0  }
0x18: {  	s0 =	sld [smem:$0x3F96];
	_ =	swait.ge [sflag:s4], $0x0  }
0x19: {  	s7 =	sld [smem:$0x3F97]  }
0x1a: {  	s8 =	sadd.s32 $0xFFFFE003, lr  }
0x1b: {  	s9 =	sadd.s32 $0xFFFFFEF7, lr;
	s5 =	simm.s32 $0xFFFFFFFF;
	p2 =	slt.u32 s8, $0xFFFFF086  }
0x1c: {  	p1 =	slt.u32 s9, $0xF7A;
	s5 =	simm.s32 @!p2 $0x0  }
0x1d: {  	s5 =	simm.s32 @p1 $0x1;
	p0 =	seq.s32 s7, s2  }
0x1e: {  	s7 =	smul.u32 @!p0 $0xF7A, s2;
	p2 =	seq.s32 @!p0 s5, $0x0  }
0x1f: {  	s9 =	smul.u32 $0xF7A, s1;
	s8 =	simm.s32 @!p0 $0x1BF5;
	p2 =	por !p2, p0  }
0x20: {  	[sflag:s8] =	ssyncset.s32 @!p0 $0xFFFFF086;
	s6 =	sadd.s32 @!p0 s3, s7;
	s7 =	simm.s32 @!p0 $0x108  }
0x21: {  	s3 =	sadd.s32 s3, s9;
	s6 =	sadd.s32 @!p0 $0x88, s6;
	s7 =	simm.s32 @p2 $0x1082  }
0x22: {  	[simem:s7], [sflag:s8] =	dma.local @!p0 [hbm:s6], $0xF7A  }
0x23: {  	s9 =	sor.u32 $0xD0000000, s2;
	s6 =	simm.s32 $0x108;
	_ =	swait.ge @!p0 [sflag:s8], $0x0  }
0x24: {  	s3 =	sadd.s32 $0x88, s3;
	s6 =	simm.s32 @!p1 $0x1082;
	[sflag:s4] =	ssyncset.s32 $0xFFFFF086  }
0x25: {  	[simem:s6], [sflag:s4] =	dma.local [hbm:s3], $0xF7A  }
0x26: {  	[smem:$0x3F97] =	sst s1;
	(tag) =	ssettag s2;
	_ =	strace s9  }
0x27: {  	s1 =	sld [smem:$0x3FA7]  }
0x28: {  	s2 =	sld [smem:$0x3FA8]  }
0x29: {  	s4 =	sld [smem:$0x3FAA]  }
0x2a: {  	p0 =	seq.s32 s5, $0x0;
	s5 =	sld [smem:$0x3FAB]  }
0x2b: {  	s6 =	sld [smem:$0x3FAC]  }
0x2c: {  	s7 =	sld [smem:$0x3FAD]  }
0x2d: {  	s3 =	simm.s32 $0x108;
	s8 =	sld [smem:$0x3FAE]  }
0x2e: {  	s3 =	simm.s32 @!p0 $0x1082;
	s9 =	sld [smem:$0x3FAF]  }
0x2f: {  	lr =	sadd.s32 s0, s3;
	s0 =	sld [smem:$0x3FA6]  }
0x30: {  	s3 =	sld [smem:$0x3FA9]  }
0x31: {  	[smem:$0x3FB2] =	sst s10  }
0x32: {  	s10 =	sld [smem:$0x3FB0];
	_ =	sdelay $0x3  }
0x33: {  	p0 =	seq.s32 s10, $0x1;
	s10 =	sld [smem:$0x3FB2];
	_ =	sdelay $0x3  }
0x34: {  	[smem:$0x3FB2] =	sst s10  }
0x35: {  	s10 =	sld [smem:$0x3FB1];
	_ =	sdelay $0x3  }
0x36: {  	p1 =	seq.s32 s10, $0x1;
	s10 =	sld [smem:$0x3FB2];
	_ =	sdelay $0x3  }
0x37: {  	[smem:$0x3FB2] =	sst s10  }
0x38: {  	s10 =	sld [smem:$0x3FB3]  }
0x39: {  	_ = 	snop;
	(pc) =	sbr.ind lr, $3  }
0x3a: {  	_ = 	snop  }
0x3b: {  	_ = 	snop  }
0x3c: {  	p2 =	seq.s32 s10, $0x1;
	s10 =	sld [smem:$0x3FB2]  }
0x3d: {  	_ =	shalt  }
0x3e: {  	_ =	shalt  }
0x3f: {  	_ =	shalt  }
0x40: {  	_ =	shalt  }
0x41: {  	_ =	shalt  }
0x42: {  	_ =	shalt  }
0x43: {  	_ =	shalt  }
0x44: {  	_ =	shalt  }
0x45: {  	_ =	shalt  }
0x46: {  	_ =	shalt  }
0x47: {  	_ =	shalt  }
0x48: {  	_ =	shalt  }
0x49: {  	_ =	shalt  }
0x4a: {  	_ =	shalt  }
0x4b: {  	_ =	shalt  }
0x4c: {  	_ =	shalt  }
0x4d: {  	_ =	shalt  }
0x4e: {  	_ =	shalt  }
0x4f: {  	_ =	shalt  }
0x50: {  	_ =	shalt  }
0x51: {  	_ =	shalt  }
0x52: {  	_ =	shalt  }
0x53: {  	_ =	shalt  }
0x54: {  	_ =	shalt  }
0x55: {  	_ =	shalt  }
0x56: {  	_ =	shalt  }
0x57: {  	_ =	shalt  }
0x58: {  	_ =	shalt  }
0x59: {  	_ =	shalt  }
0x5a: {  	_ =	shalt  }
0x5b: {  	_ =	shalt  }
0x5c: {  	_ =	shalt  }
0x5d: {  	_ =	shalt  }
0x5e: {  	_ =	shalt  }
0x5f: {  	_ =	shalt  }
0x60: {  	_ =	shalt  }
0x61: {  	_ =	shalt  }
0x62: {  	_ =	shalt  }
0x63: {  	_ =	shalt  }
0x64: {  	_ =	shalt  }
0x65: {  	_ =	shalt  }
0x66: {  	_ =	shalt  }
0x67: {  	_ =	shalt  }
0x68: {  	_ =	shalt  }
0x69: {  	_ =	shalt  }
0x6a: {  	_ =	shalt  }
0x6b: {  	_ =	shalt  }
0x6c: {  	_ =	shalt  }
0x6d: {  	_ =	shalt  }
0x6e: {  	_ =	shalt  }
0x6f: {  	_ =	shalt  }
0x70: {  	_ =	shalt  }
0x71: {  	_ =	shalt  }
0x72: {  	_ =	shalt  }
0x73: {  	_ =	shalt  }
0x74: {  	_ =	shalt  }
0x75: {  	_ =	shalt  }
0x76: {  	_ =	shalt  }
0x77: {  	_ =	shalt  }
0x78: {  	_ =	shalt  }
0x79: {  	_ =	shalt  }
0x7a: {  	_ =	shalt  }
0x7b: {  	_ =	shalt  }
0x7c: {  	_ =	shalt  }
0x7d: {  	_ =	shalt  }
0x7e: {  	_ =	shalt  }
0x7f: {  	_ =	shalt  }
0x80: {  	_ =	shalt  }
0x81: {  	_ =	shalt  }
0x82: {  	_ =	shalt  }
0x83: {  	_ =	shalt  }
0x84: {  	_ =	shalt  }
0x85: {  	_ =	shalt  }
0x86: {  	_ =	shalt  }
0x87: {  	_ =	shalt  }
.Lfunc_end0:
.L_simem_size_0:
called_computation_lowered:
.L_overlay_start_0:
0x88: {  	s2 =	sld [smem:$0x3FD9]  }
0x89: {  	s3 =	sld [smem:$0x3FFE];
	_ =	sdelay $0x1  }
0x8a: {  	s1 =	srdreg.scid  }
0x8b: {  	s0 =	sand.u32 $0x1, s1  }
0x8c: {  	s17 =	sshll.u32 s0, $0xA;
	s2 =	sadd.s32 s3, s2  }
0x8d: {  	s2 =	sadd.s32 s2, s17  }
0x8e: {  	[smem:$0x3FBE] =	sst s2  }
0x8f: {  	_ = 	snop  }
0x90: {  	s2 =	sld [smem:$0x3FC6]  }
0x91: {  	s18 =	sld [smem:$0x3FD0];
	(tm) =	ssettm $0x1  }
0x92: {  	s4 =	sld [smem:$0x3FFB];
	_ =	sdelay $0x3  }
0x93: {  	_ =	strace s4  }
0x94: {  	s4 =	sld [smem:$0x3FFC];
	_ =	sdelay $0x3  }
0x95: {  	_ =	strace s4  }
0x96: {  	s4 =	sld [smem:$0x3FFD];
	_ =	sdelay $0x3  }
0x97: {  	_ =	strace s4  }
0x98: {  	_ =	strace $0x8FFFFFFF  }
0x99: {  	s19 =	sld [smem:$0x3FDB];
	_ =	sdelay $0x1  }
0x9a: {  	s5 =	simm.s32 $_scs_section_size  }
0x9b: {  	s6 =	simm.s32 $_size__tile_overlayer_lowered;
	s7 =	simm.s32 $_tile_overlayer_lowered  }
0x9c: {  	s22 =	simm.s32 $0x1BFF;
	s21 =	sshll.u32 s7, $0x1;
	s4 =	sadd.s32 s5, s19  }
0x9d: {  	s8 =	simm.s32 $0x0;
	s20 =	sshll.u32 s6, $0x1;
	s6 =	sadd.s32 s21, s4  }
0x9e: {  	[timem:s8], [sflag:s22] =	dma.local [hbm:s6], s20  }
0x9f: {  	_ =	swait.ge [sflag:s22], s20  }
0xa0: {  	s5 =	ssub.s32 $0x0, s20;
	[sflag:s22] =	ssyncset.done $0x0  }
0xa1: {  	[sflag:s22] =	ssyncadd.s32 s5;
	_ =	sdelay $0x1  }
0xa2: {  	s23 =	simm.s32 $0x1B8B  }
0xa3: {  	_ =	swait.ge [sflag:s23], $0x1  }
0xa4: {  	[sflag:s23] =	ssyncset.done $0x0  }
0xa5: {  	s25 =	simm.s32 $0x1B8E;
	s24 =	sld [smem:$0x3FFE];
	[sflag:s23] =	ssyncadd.s32 $0xFFFFFFFF  }
0xa6: {  	s26 =	simm.s32 $execute0_lowered;
	[smem:$0x3FD2] =	sst s25  }
0xa7: {  	s6 =	sshll.u32 s26, $0x1;
	_ =	strace $0x80000046;
	[dreg:$0x1] =	wrdreg $0xFFFFFFFF  }
0xa8: {  	s28 =	simm.s32 $_size_execute0_lowered;
	s4 =	sadd.s32 s4, s6;
	[dreg:$0x0] =	wrdreg $0x0  }
0xa9: {  	s6 =	sshll.u32 s28, $0x1;
	[dreg:$0x2] =	wrdreg s4  }
0xaa: {  	[dreg:$0x3] =	wrdreg s6  }
0xab: {  	[dreg:$0x4] =	wrdreg $0xC0  }
0xac: {  	_ =	task [dreg:s8], $0x5FFFF  }
0xad: {  	[dreg:$0x1] =	wrdreg $0xFFFFFFFF  }
0xae: {  	[dreg:$0x0] =	wrdreg $0x60  }
0xaf: {  	[dreg:$0x2] =	wrdreg s18  }
0xb0: {  	[dreg:$0x3] =	wrdreg s2  }
0xb1: {  	[dreg:$0x4] =	wrdreg s24  }
0xb2: {  	[dreg:$0x5] =	wrdreg $0x9  }
0xb3: {  	_ =	task.clear_ibuf [dreg:s8], $0x6FFFF;
	_ =	strace $0x90000046  }
0xb4: {  	s29 =	simm.s32 $0x9;
	_ =	strace $0x80000048  }
0xb5: {  	_ =	swait.ge [sflag:s29], $0x1  }
0xb6: {  	[sflag:s29] =	ssyncadd.s32 $0xFFFFFFFF  }
0xb7: {  	_ =	strace $0x90000048  }
0xb8: {  	_ =	sfence  }
0xb9: {  	s30 =	sld [smem:$0x0];
	_ =	sdelay $0x2  }
0xba: {  	s31 =	sshll.u32 s1, $0xD;
	s1 =	sshrl.u32 s1, $0x2  }
0xbb: {  	s3 =	sand.u32 $0x4000, s31;
	s1 =	sadd.s32 s1, s30  }
0xbc: {  	s0 =	sor.u32 s3, s0;
	s1 =	sshll.u32 s1, $0x11  }
0xbd: {  	s0 =	sor.u32 s1, s0  }
0xbe: {  	s0 =	sadd.s32 $0x8F2B, s0  }
0xbf: {  	[sflag:s0] =	ssyncadd.remote.s32 $0x1  }
0xc0: {  	_ =	sfence.sel $0xFFFF  }
0xc1: {  	[dreg:$0x0] =	wrdreg $0xFFFFFFFF;
	(pc) =	sbr.abs _section_cstart, $3  }
0xc2: {  	[dreg:$0x1] =	wrdreg $0xFFFFFFFF  }
0xc3: {  	_ =	task.clear_ibuf [dreg:s8], $0x2FFFF;
	_ =	strace $0x9FFFFFFF  }
0xc4: {  	(tm) =	ssettm $0x7FFFFFFF  }
0xc5: {  	_ =	shalt  }
tec
execute0_lowered:
.L_overlay_start_1:
0x0: {  	(tag) =	ssettag $0x1  }
0x1: {  	s1 =	srdreg.scid  }
0x2: {  	s1 =	sand.u32 $0x1, s1  }
0x3: {  	s2 =	stileid.u32;
	s6 =	sshll.u32 s1, $0x4  }
0x4: {  	s6 =	sor.u32 s2, s6  }
0x5: {  	p0 =	sgt.u32 s6, $0x18  }
.Ltmp0:
0x6: {  	_ = 	snop;
	(pc) =	sbr.rel @p0 .LBB2_3-.Ltmp0, $4  }
0x7: {  	s0 =	rddreg [dreg:$0x0]  }
0x8: {  	s4 =	rddreg [dreg:$0x1];
	s3 =	simm.s32 $0x0  }
0x9: {  	[smem:$0x7FF] =	sst s3  }
0xa: {  	s5 =	rddreg [dreg:$0x2];
	_ =	strace $0x80000047  }
0xb: {  	s24 =	simm.s32 $0xA00  }
0xc: {  	s25 =	simm.s32 $0x1200;
	[dreg:$0x6] =	wrdreg s24  }
0xd: {  	s26 =	simm.s32 $0x1A00;
	[dreg:$0x7] =	wrdreg s25  }
0xe: {  	s7 =	smul.u32 $0x3200, s6;
	s2 =	simm.s32 $0x2200;
	[dreg:$0x8] =	wrdreg s26  }
0xf: {  	s23 =	smul.u32 $0x32, s6;
	s6 =	simm.s32 $0x3200;
	[dreg:$0x9] =	wrdreg s2  }
0x10: {  	s8 =	simm.s32 $0x4200;
	[dreg:$0xb] =	wrdreg s6  }
0x11: {  	s9 =	simm.s32 $0x4A00;
	[dreg:$0xd] =	wrdreg s8  }
0x12: {  	s10 =	simm.s32 $0x5200;
	[dreg:$0xe] =	wrdreg s9  }
0x13: {  	s11 =	simm.s32 $0x5A00;
	[dreg:$0xf] =	wrdreg s10  }
0x14: {  	s12 =	simm.s32 $0x6200;
	[dreg:$0x10] =	wrdreg s11  }
0x15: {  	s13 =	simm.s32 $0x6A00;
	[dreg:$0x11] =	wrdreg s12  }
0x16: {  	s14 =	simm.s32 $0x7200;
	[dreg:$0x12] =	wrdreg s13  }
0x17: {  	s15 =	simm.s32 $0x7A00;
	[dreg:$0x13] =	wrdreg s14  }
0x18: {  	s16 =	simm.s32 $0x8200;
	s17 =	simm.s32 $0x8A00;
	[dreg:$0x14] =	wrdreg s15  }
0x19: {  	s18 =	simm.s32 $0x9200;
	s19 =	simm.s32 $0x9A00;
	[dreg:$0x15] =	wrdreg s16  }
0x1a: {  	s20 =	simm.s32 $0xA200;
	s1 =	ssub.s32 $0x2, s1;
	[dreg:$0x16] =	wrdreg s17  }
0x1b: {  	s21 =	simm.s32 $0xAA00;
	s28 =	simm.s32 $0x17200;
	[dreg:$0x17] =	wrdreg s18  }
0x1c: {  	s29 =	simm.s32 $0x17A00;
	s30 =	simm.s32 $0x18200;
	[dreg:$0x18] =	wrdreg s19  }
0x1d: {  	s31 =	simm.s32 $0x18A00;
	[dreg:$0x19] =	wrdreg s20;
	s22 =	sshrl.u32 s1, $0x1  }
0x1e: {  	[dreg:$0x1a] =	wrdreg s21;
	s24 =	simm.s32 $0xBA00;
	s25 =	simm.s32 $0xC200  }
0x1f: {  	s26 =	simm.s32 $0xCA00;
	s6 =	simm.s32 $0x200;
	s8 =	simm.s32 $0xDA00  }
0x20: {  	s9 =	simm.s32 $0xE200;
	s10 =	simm.s32 $0xEA00;
	s11 =	simm.s32 $0xF200  }
0x21: {  	s12 =	simm.s32 $0xFA00;
	s13 =	simm.s32 $0x10200;
	s14 =	simm.s32 $0x10A00  }
0x22: {  	s15 =	simm.s32 $0x11200;
	s16 =	simm.s32 $0x11A00;
	s17 =	simm.s32 $0x12200  }
0x23: {  	s18 =	simm.s32 $0x12A00;
	s19 =	simm.s32 $0x13200;
	s20 =	simm.s32 $0x13A00  }
0x24: {  	s21 =	simm.s32 $0x14200;
	s5 =	sadd.s32 s7, s5;
	[dreg:$0x1c] =	wrdreg s24  }
0x25: {  	s4 =	sadd.s32 s4, s23;
	s7 =	simm.s32 $0x3A00;
	[dreg:$0x1d] =	wrdreg s25  }
0x26: {  	s23 =	simm.s32 $0xB200;
	s1 =	ssub.s32 s1, s22;
	[dreg:$0x1e] =	wrdreg s26  }
0x27: {  	s22 =	simm.s32 $0x14A00;
	s24 =	simm.s32 $0x15A00;
	[dreg:$0x5] =	wrdreg s4  }
0x28: {  	s25 =	simm.s32 $0x16200;
	s26 =	simm.s32 $0x16A00;
	[dreg:$0xc] =	wrdreg s7  }
0x29: {  	v2 =	vlaneseq.u32;
	s5 =	sadd.s32 $0xA00, s5;
	[dreg:$0x1b] =	wrdreg s23;
	s4 =	smax.u32 s1, $0x1  }
0x2a: {  	vm0 =	vmmov $0xffff;
	v1 =	vshrl.u32 v2, $0x3;
	s23 =	simm.s32 $0x15200;
	[dreg:$0x4] =	wrdreg s5;
	s5 =	simm.s32 $0x2A00  }
0x2b: {  	v0 =	vand.u32 $0x7, v2;
	v2 =	vor.u32 $0x8, v2;
	v1 =	vmul.u32 $0x8, v1;
	s1 =	simm.s32 $0x1;
	[dreg:$0xa] =	wrdreg s5;
	s5 =	simm.s32 $0x2  }
.LBB2_2:
0x2c: {  	s2 =	rddreg [dreg:$0x5]  }
0x2d: {  	[tilespmem:s3], [sflag:$0x2] =	stream.linear.gather [hbm4b:s2+s3], $0x190, $0x38;
	[tilespmem:$0x19200] =	vst v63  }
0x2e: {  	_ =	swait.ge [sflag:s5], $0x190  }
0x2f: {  	[sflag:s5] =	ssyncset.done $0x0  }
0x30: {  	[sflag:s5] =	ssyncadd.s32 $0xFFFFFE70  }
0x31: {  	v3 =	vld [tilespmem:$0x0];
	_ =	sdelay $0x4  }
0x32: {  	v4 =	vshll.u32 v3, $0x1  }
0x33: {  	v3 =	vand.u32 $0x7, v3;
	v4 =	vand.u32 $0xFFFFFFF0, v4  }
0x34: {  	v3 =	vor.u32 v3, v4  }
0x35: {  	v4 =	vperm.xlane v3, v0;
	_ =	sdelay $0x1  }
0x36: {  	v3 =	vperm.xlane v3, v2;
	v4 =	vadd.s32 v1, v4;
	_ =	sdelay $0x1  }
0x37: {  	v3 =	vadd.s32 v1, v3;
	_ =	sdelay $0x2  }
0x38: {  	[tilespmem:s6], [sflag:$0x1] =	stream.indirect_vreg.gather [hbm4b:s0+s3], $0x80, v4, vm0, $0xb8;
	[tilespmem:$0x19200] =	vst v63  }
0x39: {  	s7 =	rddreg [dreg:$0x6]  }
0x3a: {  	[tilespmem:s7], [sflag:$0x1] =	stream.indirect_vreg.gather [hbm4b:s0+s3], $0x80, v3, vm0, $0xb8;
	[tilespmem:$0x19200] =	vst v63  }
0x3b: {  	v3 =	vld [tilespmem:$0x10];
	_ =	sdelay $0x4  }
0x3c: {  	v40 =	vshll.u32 v3, $0x1  }
0x3d: {  	v3 =	vand.u32 $0x7, v3;
	v4 =	vand.u32 $0xFFFFFFF0, v40  }
0x3e: {  	v3 =	vor.u32 v3, v4  }
0x3f: {  	v4 =	vperm.xlane v3, v0;
	_ =	sdelay $0x1  }
0x40: {  	v3 =	vperm.xlane v3, v2;
	v4 =	vadd.s32 v1, v4;
	_ =	sdelay $0x1  }
0x41: {  	v3 =	vadd.s32 v1, v3;
	_ =	sdelay $0x1  }
0x42: {  	s2 =	rddreg [dreg:$0x7]  }
0x43: {  	[tilespmem:s2], [sflag:$0x1] =	stream.indirect_vreg.gather [hbm4b:s0+s3], $0x80, v4, vm0, $0xb8;
	[tilespmem:$0x19200] =	vst v63  }
0x44: {  	s7 =	rddreg [dreg:$0x8]  }
0x45: {  	[tilespmem:s7], [sflag:$0x1] =	stream.indirect_vreg.gather [hbm4b:s0+s3], $0x80, v3, vm0, $0xb8;
	[tilespmem:$0x19200] =	vst v63  }
0x46: {  	v3 =	vld [tilespmem:$0x20];
	_ =	sdelay $0x4  }
0x47: {  	v41 =	vshll.u32 v3, $0x1  }
0x48: {  	v3 =	vand.u32 $0x7, v3;
	v4 =	vand.u32 $0xFFFFFFF0, v41  }
0x49: {  	v3 =	vor.u32 v3, v4  }
0x4a: {  	v4 =	vperm.xlane v3, v0;
	_ =	sdelay $0x1  }
0x4b: {  	v3 =	vperm.xlane v3, v2;
	v4 =	vadd.s32 v1, v4;
	_ =	sdelay $0x1  }
0x4c: {  	v3 =	vadd.s32 v1, v3;
	_ =	sdelay $0x1  }
0x4d: {  	s2 =	rddreg [dreg:$0x9]  }
0x4e: {  	[tilespmem:s2], [sflag:$0x1] =	stream.indirect_vreg.gather [hbm4b:s0+s3], $0x80, v4, vm0, $0xb8;
	[tilespmem:$0x19200] =	vst v63  }
0x4f: {  	s7 =	rddreg [dreg:$0xa]  }
0x50: {  	[tilespmem:s7], [sflag:$0x1] =	stream.indirect_vreg.gather [hbm4b:s0+s3], $0x80, v3, vm0, $0xb8;
	[tilespmem:$0x19200] =	vst v63  }
0x51: {  	v3 =	vld [tilespmem:$0x30];
	_ =	sdelay $0x4  }
0x52: {  	v42 =	vshll.u32 v3, $0x1  }
0x53: {  	v3 =	vand.u32 $0x7, v3;
	v4 =	vand.u32 $0xFFFFFFF0, v42  }
0x54: {  	v3 =	vor.u32 v3, v4  }
0x55: {  	v4 =	vperm.xlane v3, v0;
	_ =	sdelay $0x1  }
0x56: {  	v3 =	vperm.xlane v3, v2;
	v4 =	vadd.s32 v1, v4;
	_ =	sdelay $0x1  }
0x57: {  	v3 =	vadd.s32 v1, v3;
	_ =	sdelay $0x1  }
0x58: {  	s2 =	rddreg [dreg:$0xb]  }
0x59: {  	[tilespmem:s2], [sflag:$0x1] =	stream.indirect_vreg.gather [hbm4b:s0+s3], $0x80, v4, vm0, $0xb8;
	[tilespmem:$0x19200] =	vst v63  }
0x5a: {  	s7 =	rddreg [dreg:$0xc]  }
0x5b: {  	[tilespmem:s7], [sflag:$0x1] =	stream.indirect_vreg.gather [hbm4b:s0+s3], $0x80, v3, vm0, $0xb8;
	[tilespmem:$0x19200] =	vst v63  }
0x5c: {  	v3 =	vld [tilespmem:$0x40];
	_ =	sdelay $0x4  }
0x5d: {  	v43 =	vshll.u32 v3, $0x1  }
0x5e: {  	v3 =	vand.u32 $0x7, v3;
	v4 =	vand.u32 $0xFFFFFFF0, v43  }
0x5f: {  	v3 =	vor.u32 v3, v4  }
0x60: {  	v4 =	vperm.xlane v3, v0;
	_ =	sdelay $0x1  }
0x61: {  	v3 =	vperm.xlane v3, v2;
	v4 =	vadd.s32 v1, v4;
	_ =	sdelay $0x1  }
0x62: {  	v3 =	vadd.s32 v1, v3;
	_ =	sdelay $0x1  }
0x63: {  	s2 =	rddreg [dreg:$0xd]  }
0x64: {  	[tilespmem:s2], [sflag:$0x1] =	stream.indirect_vreg.gather [hbm4b:s0+s3], $0x80, v4, vm0, $0xb8;
	[tilespmem:$0x19200] =	vst v63  }
0x65: {  	s7 =	rddreg [dreg:$0xe]  }
0x66: {  	[tilespmem:s7], [sflag:$0x1] =	stream.indirect_vreg.gather [hbm4b:s0+s3], $0x80, v3, vm0, $0xb8;
	[tilespmem:$0x19200] =	vst v63  }
0x67: {  	v3 =	vld [tilespmem:$0x50];
	_ =	sdelay $0x4  }
0x68: {  	v44 =	vshll.u32 v3, $0x1  }
0x69: {  	v3 =	vand.u32 $0x7, v3;
	v4 =	vand.u32 $0xFFFFFFF0, v44  }
0x6a: {  	v3 =	vor.u32 v3, v4  }
0x6b: {  	v4 =	vperm.xlane v3, v0;
	_ =	sdelay $0x1  }
0x6c: {  	v3 =	vperm.xlane v3, v2;
	v4 =	vadd.s32 v1, v4;
	_ =	sdelay $0x1  }
0x6d: {  	v3 =	vadd.s32 v1, v3;
	_ =	sdelay $0x1  }
0x6e: {  	s2 =	rddreg [dreg:$0xf]  }
0x6f: {  	[tilespmem:s2], [sflag:$0x1] =	stream.indirect_vreg.gather [hbm4b:s0+s3], $0x80, v4, vm0, $0xb8;
	[tilespmem:$0x19200] =	vst v63  }
0x70: {  	s7 =	rddreg [dreg:$0x10]  }
0x71: {  	[tilespmem:s7], [sflag:$0x1] =	stream.indirect_vreg.gather [hbm4b:s0+s3], $0x80, v3, vm0, $0xb8;
	[tilespmem:$0x19200] =	vst v63  }
0x72: {  	v3 =	vld [tilespmem:$0x60];
	_ =	sdelay $0x4  }
0x73: {  	v45 =	vshll.u32 v3, $0x1  }
0x74: {  	v3 =	vand.u32 $0x7, v3;
	v4 =	vand.u32 $0xFFFFFFF0, v45  }
0x75: {  	v3 =	vor.u32 v3, v4  }
0x76: {  	v4 =	vperm.xlane v3, v0;
	_ =	sdelay $0x1  }
0x77: {  	v3 =	vperm.xlane v3, v2;
	v4 =	vadd.s32 v1, v4;
	_ =	sdelay $0x1  }
0x78: {  	v3 =	vadd.s32 v1, v3;
	_ =	sdelay $0x1  }
0x79: {  	s2 =	rddreg [dreg:$0x11]  }
0x7a: {  	[tilespmem:s2], [sflag:$0x1] =	stream.indirect_vreg.gather [hbm4b:s0+s3], $0x80, v4, vm0, $0xb8;
	[tilespmem:$0x19200] =	vst v63  }
0x7b: {  	s7 =	rddreg [dreg:$0x12]  }
0x7c: {  	[tilespmem:s7], [sflag:$0x1] =	stream.indirect_vreg.gather [hbm4b:s0+s3], $0x80, v3, vm0, $0xb8;
	[tilespmem:$0x19200] =	vst v63  }
0x7d: {  	v3 =	vld [tilespmem:$0x70];
	_ =	sdelay $0x4  }
0x7e: {  	v46 =	vshll.u32 v3, $0x1  }
0x7f: {  	v3 =	vand.u32 $0x7, v3;
	v4 =	vand.u32 $0xFFFFFFF0, v46  }
0x80: {  	v3 =	vor.u32 v3, v4  }
0x81: {  	v4 =	vperm.xlane v3, v0;
	_ =	sdelay $0x1  }
0x82: {  	v3 =	vperm.xlane v3, v2;
	v4 =	vadd.s32 v1, v4;
	_ =	sdelay $0x1  }
0x83: {  	v3 =	vadd.s32 v1, v3;
	_ =	sdelay $0x1  }
0x84: {  	s2 =	rddreg [dreg:$0x13]  }
0x85: {  	[tilespmem:s2], [sflag:$0x1] =	stream.indirect_vreg.gather [hbm4b:s0+s3], $0x80, v4, vm0, $0xb8;
	[tilespmem:$0x19200] =	vst v63  }
0x86: {  	s7 =	rddreg [dreg:$0x14]  }
0x87: {  	[tilespmem:s7], [sflag:$0x1] =	stream.indirect_vreg.gather [hbm4b:s0+s3], $0x80, v3, vm0, $0xb8;
	[tilespmem:$0x19200] =	vst v63  }
0x88: {  	v3 =	vld [tilespmem:$0x80];
	_ =	sdelay $0x4  }
0x89: {  	v47 =	vshll.u32 v3, $0x1  }
0x8a: {  	v3 =	vand.u32 $0x7, v3;
	v4 =	vand.u32 $0xFFFFFFF0, v47  }
0x8b: {  	v3 =	vor.u32 v3, v4  }
0x8c: {  	v4 =	vperm.xlane v3, v0;
	_ =	sdelay $0x1  }
0x8d: {  	v3 =	vperm.xlane v3, v2;
	v4 =	vadd.s32 v1, v4;
	_ =	sdelay $0x1  }
0x8e: {  	v3 =	vadd.s32 v1, v3;
	_ =	sdelay $0x1  }
0x8f: {  	s2 =	rddreg [dreg:$0x15]  }
0x90: {  	[tilespmem:s2], [sflag:$0x1] =	stream.indirect_vreg.gather [hbm4b:s0+s3], $0x80, v4, vm0, $0xb8;
	[tilespmem:$0x19200] =	vst v63  }
0x91: {  	s7 =	rddreg [dreg:$0x16]  }
0x92: {  	[tilespmem:s7], [sflag:$0x1] =	stream.indirect_vreg.gather [hbm4b:s0+s3], $0x80, v3, vm0, $0xb8;
	[tilespmem:$0x19200] =	vst v63  }
0x93: {  	v3 =	vld [tilespmem:$0x90];
	_ =	sdelay $0x4  }
0x94: {  	v48 =	vshll.u32 v3, $0x1  }
0x95: {  	v3 =	vand.u32 $0x7, v3;
	v4 =	vand.u32 $0xFFFFFFF0, v48  }
0x96: {  	v3 =	vor.u32 v3, v4  }
0x97: {  	v4 =	vperm.xlane v3, v0;
	_ =	sdelay $0x1  }
0x98: {  	v3 =	vperm.xlane v3, v2;
	v4 =	vadd.s32 v1, v4;
	_ =	sdelay $0x1  }
0x99: {  	v3 =	vadd.s32 v1, v3;
	_ =	sdelay $0x1  }
0x9a: {  	s2 =	rddreg [dreg:$0x17]  }
0x9b: {  	[tilespmem:s2], [sflag:$0x1] =	stream.indirect_vreg.gather [hbm4b:s0+s3], $0x80, v4, vm0, $0xb8;
	[tilespmem:$0x19200] =	vst v63  }
0x9c: {  	s7 =	rddreg [dreg:$0x18]  }
0x9d: {  	[tilespmem:s7], [sflag:$0x1] =	stream.indirect_vreg.gather [hbm4b:s0+s3], $0x80, v3, vm0, $0xb8;
	[tilespmem:$0x19200] =	vst v63  }
0x9e: {  	v3 =	vld [tilespmem:$0xA0];
	_ =	sdelay $0x4  }
0x9f: {  	v49 =	vshll.u32 v3, $0x1  }
0xa0: {  	v3 =	vand.u32 $0x7, v3;
	v4 =	vand.u32 $0xFFFFFFF0, v49  }
0xa1: {  	v3 =	vor.u32 v3, v4  }
0xa2: {  	v4 =	vperm.xlane v3, v0;
	_ =	sdelay $0x1  }
0xa3: {  	v3 =	vperm.xlane v3, v2;
	v4 =	vadd.s32 v1, v4;
	_ =	sdelay $0x1  }
0xa4: {  	v3 =	vadd.s32 v1, v3;
	_ =	sdelay $0x1  }
0xa5: {  	s2 =	rddreg [dreg:$0x19]  }
0xa6: {  	[tilespmem:s2], [sflag:$0x1] =	stream.indirect_vreg.gather [hbm4b:s0+s3], $0x80, v4, vm0, $0xb8;
	[tilespmem:$0x19200] =	vst v63  }
0xa7: {  	s7 =	rddreg [dreg:$0x1a]  }
0xa8: {  	[tilespmem:s7], [sflag:$0x1] =	stream.indirect_vreg.gather [hbm4b:s0+s3], $0x80, v3, vm0, $0xb8;
	[tilespmem:$0x19200] =	vst v63  }
0xa9: {  	v3 =	vld [tilespmem:$0xB0];
	_ =	sdelay $0x4  }
0xaa: {  	v50 =	vshll.u32 v3, $0x1  }
0xab: {  	v3 =	vand.u32 $0x7, v3;
	v4 =	vand.u32 $0xFFFFFFF0, v50  }
0xac: {  	v3 =	vor.u32 v3, v4  }
0xad: {  	v4 =	vperm.xlane v3, v0;
	_ =	sdelay $0x1  }
0xae: {  	v3 =	vperm.xlane v3, v2;
	v4 =	vadd.s32 v1, v4;
	_ =	sdelay $0x1  }
0xaf: {  	v3 =	vadd.s32 v1, v3;
	_ =	sdelay $0x1  }
0xb0: {  	s2 =	rddreg [dreg:$0x1b]  }
0xb1: {  	[tilespmem:s2], [sflag:$0x1] =	stream.indirect_vreg.gather [hbm4b:s0+s3], $0x80, v4, vm0, $0xb8;
	[tilespmem:$0x19200] =	vst v63  }
0xb2: {  	s7 =	rddreg [dreg:$0x1c]  }
0xb3: {  	[tilespmem:s7], [sflag:$0x1] =	stream.indirect_vreg.gather [hbm4b:s0+s3], $0x80, v3, vm0, $0xb8;
	[tilespmem:$0x19200] =	vst v63  }
0xb4: {  	v3 =	vld [tilespmem:$0xC0];
	_ =	sdelay $0x4  }
0xb5: {  	v51 =	vshll.u32 v3, $0x1  }
0xb6: {  	v3 =	vand.u32 $0x7, v3;
	v4 =	vand.u32 $0xFFFFFFF0, v51  }
0xb7: {  	v3 =	vor.u32 v3, v4  }
0xb8: {  	v4 =	vperm.xlane v3, v0;
	_ =	sdelay $0x1  }
0xb9: {  	v3 =	vperm.xlane v3, v2;
	v4 =	vadd.s32 v1, v4;
	_ =	sdelay $0x1  }
0xba: {  	v3 =	vadd.s32 v1, v3;
	_ =	sdelay $0x1  }
0xbb: {  	s2 =	rddreg [dreg:$0x1d]  }
0xbc: {  	[tilespmem:s2], [sflag:$0x1] =	stream.indirect_vreg.gather [hbm4b:s0+s3], $0x80, v4, vm0, $0xb8;
	[tilespmem:$0x19200] =	vst v63  }
0xbd: {  	s7 =	rddreg [dreg:$0x1e]  }
0xbe: {  	[tilespmem:s7], [sflag:$0x1] =	stream.indirect_vreg.gather [hbm4b:s0+s3], $0x80, v3, vm0, $0xb8;
	[tilespmem:$0x19200] =	vst v63  }
0xbf: {  	v3 =	vld [tilespmem:$0xD0];
	_ =	sdelay $0x4  }
0xc0: {  	v52 =	vshll.u32 v3, $0x1  }
0xc1: {  	v3 =	vand.u32 $0x7, v3;
	v4 =	vand.u32 $0xFFFFFFF0, v52  }
0xc2: {  	v3 =	vor.u32 v3, v4  }
0xc3: {  	v4 =	vperm.xlane v3, v0;
	_ =	sdelay $0x1  }
0xc4: {  	v3 =	vperm.xlane v3, v2;
	v4 =	vadd.s32 v1, v4;
	_ =	sdelay $0x1  }
0xc5: {  	v3 =	vadd.s32 v1, v3;
	_ =	sdelay $0x1  }
0xc6: {  	s7 =	simm.s32 $0xD200  }
0xc7: {  	[tilespmem:s7], [sflag:$0x1] =	stream.indirect_vreg.gather [hbm4b:s0+s3], $0x80, v4, vm0, $0xb8;
	[tilespmem:$0x19200] =	vst v63  }
0xc8: {  	_ = 	snop  }
0xc9: {  	[tilespmem:s8], [sflag:$0x1] =	stream.indirect_vreg.gather [hbm4b:s0+s3], $0x80, v3, vm0, $0xb8;
	[tilespmem:$0x19200] =	vst v63  }
0xca: {  	v3 =	vld [tilespmem:$0xE0];
	_ =	sdelay $0x4  }
0xcb: {  	v53 =	vshll.u32 v3, $0x1  }
0xcc: {  	v3 =	vand.u32 $0x7, v3;
	v4 =	vand.u32 $0xFFFFFFF0, v53  }
0xcd: {  	v3 =	vor.u32 v3, v4  }
0xce: {  	v4 =	vperm.xlane v3, v0;
	_ =	sdelay $0x1  }
0xcf: {  	v3 =	vperm.xlane v3, v2;
	v4 =	vadd.s32 v1, v4;
	_ =	sdelay $0x1  }
0xd0: {  	v3 =	vadd.s32 v1, v3;
	_ =	sdelay $0x2  }
0xd1: {  	[tilespmem:s9], [sflag:$0x1] =	stream.indirect_vreg.gather [hbm4b:s0+s3], $0x80, v4, vm0, $0xb8;
	[tilespmem:$0x19200] =	vst v63  }
0xd2: {  	_ = 	snop  }
0xd3: {  	[tilespmem:s10], [sflag:$0x1] =	stream.indirect_vreg.gather [hbm4b:s0+s3], $0x80, v3, vm0, $0xb8;
	[tilespmem:$0x19200] =	vst v63  }
0xd4: {  	v3 =	vld [tilespmem:$0xF0];
	_ =	sdelay $0x4  }
0xd5: {  	v54 =	vshll.u32 v3, $0x1  }
0xd6: {  	v3 =	vand.u32 $0x7, v3;
	v4 =	vand.u32 $0xFFFFFFF0, v54  }
0xd7: {  	v3 =	vor.u32 v3, v4  }
0xd8: {  	v4 =	vperm.xlane v3, v0;
	_ =	sdelay $0x1  }
0xd9: {  	v3 =	vperm.xlane v3, v2;
	v4 =	vadd.s32 v1, v4;
	_ =	sdelay $0x1  }
0xda: {  	v3 =	vadd.s32 v1, v3;
	_ =	sdelay $0x2  }
0xdb: {  	[tilespmem:s11], [sflag:$0x1] =	stream.indirect_vreg.gather [hbm4b:s0+s3], $0x80, v4, vm0, $0xb8;
	[tilespmem:$0x19200] =	vst v63  }
0xdc: {  	_ = 	snop  }
0xdd: {  	[tilespmem:s12], [sflag:$0x1] =	stream.indirect_vreg.gather [hbm4b:s0+s3], $0x80, v3, vm0, $0xb8;
	[tilespmem:$0x19200] =	vst v63  }
0xde: {  	v3 =	vld [tilespmem:$0x100];
	_ =	sdelay $0x4  }
0xdf: {  	v55 =	vshll.u32 v3, $0x1  }
0xe0: {  	v3 =	vand.u32 $0x7, v3;
	v4 =	vand.u32 $0xFFFFFFF0, v55  }
0xe1: {  	v3 =	vor.u32 v3, v4  }
0xe2: {  	v4 =	vperm.xlane v3, v0;
	_ =	sdelay $0x1  }
0xe3: {  	v3 =	vperm.xlane v3, v2;
	v4 =	vadd.s32 v1, v4;
	_ =	sdelay $0x1  }
0xe4: {  	v3 =	vadd.s32 v1, v3;
	_ =	sdelay $0x2  }
0xe5: {  	[tilespmem:s13], [sflag:$0x1] =	stream.indirect_vreg.gather [hbm4b:s0+s3], $0x80, v4, vm0, $0xb8;
	[tilespmem:$0x19200] =	vst v63  }
0xe6: {  	_ = 	snop  }
0xe7: {  	[tilespmem:s14], [sflag:$0x1] =	stream.indirect_vreg.gather [hbm4b:s0+s3], $0x80, v3, vm0, $0xb8;
	[tilespmem:$0x19200] =	vst v63  }
0xe8: {  	v3 =	vld [tilespmem:$0x110];
	_ =	sdelay $0x4  }
0xe9: {  	v56 =	vshll.u32 v3, $0x1  }
0xea: {  	v3 =	vand.u32 $0x7, v3;
	v4 =	vand.u32 $0xFFFFFFF0, v56  }
0xeb: {  	v3 =	vor.u32 v3, v4  }
0xec: {  	v4 =	vperm.xlane v3, v0;
	_ =	sdelay $0x1  }
0xed: {  	v3 =	vperm.xlane v3, v2;
	v4 =	vadd.s32 v1, v4;
	_ =	sdelay $0x1  }
0xee: {  	v3 =	vadd.s32 v1, v3;
	_ =	sdelay $0x2  }
0xef: {  	[tilespmem:s15], [sflag:$0x1] =	stream.indirect_vreg.gather [hbm4b:s0+s3], $0x80, v4, vm0, $0xb8;
	[tilespmem:$0x19200] =	vst v63  }
0xf0: {  	_ = 	snop  }
0xf1: {  	[tilespmem:s16], [sflag:$0x1] =	stream.indirect_vreg.gather [hbm4b:s0+s3], $0x80, v3, vm0, $0xb8;
	[tilespmem:$0x19200] =	vst v63  }
0xf2: {  	v3 =	vld [tilespmem:$0x120];
	_ =	sdelay $0x4  }
0xf3: {  	v57 =	vshll.u32 v3, $0x1  }
0xf4: {  	v3 =	vand.u32 $0x7, v3;
	v4 =	vand.u32 $0xFFFFFFF0, v57  }
0xf5: {  	v3 =	vor.u32 v3, v4  }
0xf6: {  	v4 =	vperm.xlane v3, v0;
	_ =	sdelay $0x1  }
0xf7: {  	v3 =	vperm.xlane v3, v2;
	v4 =	vadd.s32 v1, v4;
	_ =	sdelay $0x1  }
0xf8: {  	v3 =	vadd.s32 v1, v3;
	_ =	sdelay $0x2  }
0xf9: {  	[tilespmem:s17], [sflag:$0x1] =	stream.indirect_vreg.gather [hbm4b:s0+s3], $0x80, v4, vm0, $0xb8;
	[tilespmem:$0x19200] =	vst v63  }
0xfa: {  	_ = 	snop  }
0xfb: {  	[tilespmem:s18], [sflag:$0x1] =	stream.indirect_vreg.gather [hbm4b:s0+s3], $0x80, v3, vm0, $0xb8;
	[tilespmem:$0x19200] =	vst v63  }
0xfc: {  	v3 =	vld [tilespmem:$0x130];
	_ =	sdelay $0x4  }
0xfd: {  	v58 =	vshll.u32 v3, $0x1  }
0xfe: {  	v3 =	vand.u32 $0x7, v3;
	v4 =	vand.u32 $0xFFFFFFF0, v58  }
0xff: {  	v3 =	vor.u32 v3, v4  }
0x100: {  	v4 =	vperm.xlane v3, v0;
	_ =	sdelay $0x1  }
0x101: {  	v3 =	vperm.xlane v3, v2;
	v4 =	vadd.s32 v1, v4;
	_ =	sdelay $0x1  }
0x102: {  	v3 =	vadd.s32 v1, v3;
	_ =	sdelay $0x2  }
0x103: {  	[tilespmem:s19], [sflag:$0x1] =	stream.indirect_vreg.gather [hbm4b:s0+s3], $0x80, v4, vm0, $0xb8;
	[tilespmem:$0x19200] =	vst v63  }
0x104: {  	_ = 	snop  }
0x105: {  	[tilespmem:s20], [sflag:$0x1] =	stream.indirect_vreg.gather [hbm4b:s0+s3], $0x80, v3, vm0, $0xb8;
	[tilespmem:$0x19200] =	vst v63  }
0x106: {  	v3 =	vld [tilespmem:$0x140];
	_ =	sdelay $0x4  }
0x107: {  	v59 =	vshll.u32 v3, $0x1  }
0x108: {  	v3 =	vand.u32 $0x7, v3;
	v4 =	vand.u32 $0xFFFFFFF0, v59  }
0x109: {  	v3 =	vor.u32 v3, v4  }
0x10a: {  	v4 =	vperm.xlane v3, v0;
	_ =	sdelay $0x1  }
0x10b: {  	v3 =	vperm.xlane v3, v2;
	v4 =	vadd.s32 v1, v4;
	_ =	sdelay $0x1  }
0x10c: {  	v3 =	vadd.s32 v1, v3;
	_ =	sdelay $0x2  }
0x10d: {  	[tilespmem:s21], [sflag:$0x1] =	stream.indirect_vreg.gather [hbm4b:s0+s3], $0x80, v4, vm0, $0xb8;
	[tilespmem:$0x19200] =	vst v63  }
0x10e: {  	_ = 	snop  }
0x10f: {  	[tilespmem:s22], [sflag:$0x1] =	stream.indirect_vreg.gather [hbm4b:s0+s3], $0x80, v3, vm0, $0xb8;
	[tilespmem:$0x19200] =	vst v63  }
0x110: {  	v3 =	vld [tilespmem:$0x150];
	_ =	sdelay $0x4  }
0x111: {  	v60 =	vshll.u32 v3, $0x1  }
0x112: {  	v3 =	vand.u32 $0x7, v3;
	v4 =	vand.u32 $0xFFFFFFF0, v60  }
0x113: {  	v3 =	vor.u32 v3, v4  }
0x114: {  	v4 =	vperm.xlane v3, v0;
	_ =	sdelay $0x1  }
0x115: {  	v3 =	vperm.xlane v3, v2;
	v4 =	vadd.s32 v1, v4;
	_ =	sdelay $0x1  }
0x116: {  	v3 =	vadd.s32 v1, v3;
	_ =	sdelay $0x2  }
0x117: {  	[tilespmem:s23], [sflag:$0x1] =	stream.indirect_vreg.gather [hbm4b:s0+s3], $0x80, v4, vm0, $0xb8;
	[tilespmem:$0x19200] =	vst v63  }
0x118: {  	_ = 	snop  }
0x119: {  	[tilespmem:s24], [sflag:$0x1] =	stream.indirect_vreg.gather [hbm4b:s0+s3], $0x80, v3, vm0, $0xb8;
	[tilespmem:$0x19200] =	vst v63  }
0x11a: {  	v3 =	vld [tilespmem:$0x160];
	_ =	sdelay $0x4  }
0x11b: {  	v61 =	vshll.u32 v3, $0x1  }
0x11c: {  	v3 =	vand.u32 $0x7, v3;
	v4 =	vand.u32 $0xFFFFFFF0, v61  }
0x11d: {  	v3 =	vor.u32 v3, v4  }
0x11e: {  	v4 =	vperm.xlane v3, v0;
	_ =	sdelay $0x1  }
0x11f: {  	v3 =	vperm.xlane v3, v2;
	v4 =	vadd.s32 v1, v4;
	_ =	sdelay $0x1  }
0x120: {  	v3 =	vadd.s32 v1, v3;
	_ =	sdelay $0x2  }
0x121: {  	[tilespmem:s25], [sflag:$0x1] =	stream.indirect_vreg.gather [hbm4b:s0+s3], $0x80, v4, vm0, $0xb8;
	[tilespmem:$0x19200] =	vst v63  }
0x122: {  	_ = 	snop  }
0x123: {  	[tilespmem:s26], [sflag:$0x1] =	stream.indirect_vreg.gather [hbm4b:s0+s3], $0x80, v3, vm0, $0xb8;
	[tilespmem:$0x19200] =	vst v63  }
0x124: {  	v3 =	vld [tilespmem:$0x170];
	_ =	sdelay $0x4  }
0x125: {  	v62 =	vshll.u32 v3, $0x1  }
0x126: {  	v3 =	vand.u32 $0x7, v3;
	v4 =	vand.u32 $0xFFFFFFF0, v62  }
0x127: {  	v3 =	vor.u32 v3, v4  }
0x128: {  	v4 =	vperm.xlane v3, v0;
	_ =	sdelay $0x1  }
0x129: {  	v3 =	vperm.xlane v3, v2;
	v4 =	vadd.s32 v1, v4;
	_ =	sdelay $0x1  }
0x12a: {  	v3 =	vadd.s32 v1, v3;
	_ =	sdelay $0x2  }
0x12b: {  	[tilespmem:s28], [sflag:$0x1] =	stream.indirect_vreg.gather [hbm4b:s0+s3], $0x80, v4, vm0, $0xb8;
	[tilespmem:$0x19200] =	vst v63  }
0x12c: {  	_ = 	snop  }
0x12d: {  	[tilespmem:s29], [sflag:$0x1] =	stream.indirect_vreg.gather [hbm4b:s0+s3], $0x80, v3, vm0, $0xb8;
	[tilespmem:$0x19200] =	vst v63  }
0x12e: {  	v3 =	vld [tilespmem:$0x180];
	_ =	sdelay $0x4  }
0x12f: {  	v63 =	vshll.u32 v3, $0x1  }
0x130: {  	v3 =	vand.u32 $0x7, v3;
	v4 =	vand.u32 $0xFFFFFFF0, v63  }
0x131: {  	v3 =	vor.u32 v3, v4  }
0x132: {  	v4 =	vperm.xlane v3, v0;
	_ =	sdelay $0x1  }
0x133: {  	v3 =	vperm.xlane v3, v2;
	v4 =	vadd.s32 v1, v4;
	_ =	sdelay $0x1  }
0x134: {  	v3 =	vadd.s32 v1, v3;
	_ =	sdelay $0x2  }
0x135: {  	[tilespmem:s30], [sflag:$0x1] =	stream.indirect_vreg.gather [hbm4b:s0+s3], $0x80, v4, vm0, $0xb8;
	[tilespmem:$0x19200] =	vst v63  }
0x136: {  	_ = 	snop  }
0x137: {  	[tilespmem:s31], [sflag:$0x1] =	stream.indirect_vreg.gather [hbm4b:s0+s3], $0x80, v3, vm0, $0xb8;
	[tilespmem:$0x19200] =	vst v63  }
0x138: {  	_ =	swait.ge [sflag:s1], $0x19000  }
0x139: {  	p0 =	sne.s32 s4, $0x1;
	[sflag:s1] =	ssyncset.done $0x0  }
.Ltmp1:
0x13a: {  	s7 =	rddreg [dreg:$0x4];
	[sflag:s1] =	ssyncadd.s32 $0xFFFE7000;
	(pc) =	sbr.rel @p0 .LBB2_2-.Ltmp1, $4  }
0x13b: {  	[hbm4b:s7+s3] =	stream.linear.scatter [tilespmem:s6], [sflag:$0x2], $0x19000, $0x38;
	[tilespmem:$0x19200] =	vst v63  }
0x13c: {  	_ =	swait.ge [sflag:s5], $0x19000  }
0x13d: {  	[sflag:s5] =	ssyncset.done $0x0  }
0x13e: {  	s4 =	sadd.s32 $0xFFFFFFFF, s4;
	[sflag:s5] =	ssyncadd.s32 $0xFFFE7000  }
.LBB2_3:
0x13f: {  	_ =	sfence.sel $0x180000  }
0x140: {  	[bflag:$0x0] =	sbarrier.arrive $0xFFFF  }
0x141: {  	_ =	strace $0x90000047  }
0x142: {  	s0 =	stileid.u32;
	[bflag:$0x2] =	sbarrier.arrive $0xFFFF  }
0x143: {  	p0 =	sne.s32 s0, $0x0;
	s0 =	rddreg [dreg:$0x3]  }
0x144: {  	s0 =	sadd.s32 @!p0 $0x100000, s0  }
0x145: {  	[sflag:s0] =	ssyncadd.tile.s32 @!p0 $0x1;
	_ =	shalt  }
.Lfunc_end2:
_tile_overlayer_lowered:
.L_overlay_start_2:
0x146: {  	(tag) =	ssettag $0x2  }
0x147: {  	s0 =	rddreg [dreg:$0x0];
	s2 =	stileid.u32  }
0x148: {  	s1 =	rddreg [dreg:$0x1];
	p0 =	sne.s32 s2, $0x0  }
0x149: {  	s3 =	rddreg [dreg:$0x2];
	[bflag:$0x3] =	sbarrier.arrive $0xFFFF;
	s2 =	simm.s32 @!p0 $0x1C02  }
0x14a: {  	[timem:s3], [sflag:s2] =	dma.local @!p0 [hbm:s0], s1  }
0x14b: {  	s0 =	simm.s32 @!p0 $0x2  }
0x14c: {  	_ =	swait.ge @!p0 [sflag:s0], s1  }
0x14d: {  	s1 =	ssub.s32 @!p0 $0x0, s1;
	[sflag:s0] =	ssyncset.done @!p0 $0x0  }
0x14e: {  	[sflag:s0] =	ssyncadd.s32 @!p0 s1  }
0x14f: {  	[bflag:$0x3] =	sbarrier.arrive $0xFFFF  }
0x150: {  	_ =	shalt  }

// kernel: kernel.8.cloned.1.call-start
scs
__scs_entry_jumppad:
0x0: {  	(pc) =	sbr.rel $0x88, $3  }
0x1: {  	(tag) =	ssettag $0x0;
	lr =	simm.s32 $0x1  }
0x2: {  	[smem:$0x3F97] =	sst lr;
	_ =	strace $0xD0000000  }
0x3: {  	_ = 	snop  }
0x4: {  	_ = 	snop  }
0x5: {  	_ = 	snop  }
0x6: {  	_ = 	snop  }
0x7: {  	_ = 	snop  }
__scs_overlays_trampoline_lowered:
0x8: {  	[smem:$0x3FA6] =	sst s0  }
0x9: {  	[smem:$0x3FA7] =	sst s1  }
0xa: {  	[smem:$0x3FA8] =	sst s2  }
0xb: {  	[smem:$0x3FA9] =	sst s3  }
0xc: {  	[smem:$0x3FAA] =	sst s4  }
0xd: {  	[smem:$0x3FAB] =	sst s5  }
0xe: {  	[smem:$0x3FAC] =	sst s6  }
0xf: {  	[smem:$0x3FAD] =	sst s7  }
0x10: {  	[smem:$0x3FAE] =	sst s8  }
0x11: {  	[smem:$0x3FAF] =	sst s9;
	s0 =	simm.s32 @!p0 $0x0  }
0x12: {  	s1 =	sld [smem:$0x3F95];
	s0 =	simm.s32 @p0 $0x1  }
0x13: {  	[smem:$0x3FB0] =	sst s0;
	s0 =	simm.s32 @!p1 $0x0  }
0x14: {  	s2 =	sld [smem:$0x3F94];
	s0 =	simm.s32 @p1 $0x1  }
0x15: {  	[smem:$0x3FB1] =	sst s0;
	s0 =	simm.s32 @!p2 $0x0  }
0x16: {  	s3 =	sld [smem:$0x3FDB];
	s0 =	simm.s32 @p2 $0x1  }
0x17: {  	s4 =	simm.s32 $0x1BF5;
	[smem:$0x3FB3] =	sst s0  }
0x18: {  	s0 =	sld [smem:$0x3F96];
	_ =	swait.ge [sflag:s4], $0x0  }
0x19: {  	s7 =	sld [smem:$0x3F97]  }
0x1a: {  	s8 =	sadd.s32 $0xFFFFE003, lr  }
0x1b: {  	s9 =	sadd.s32 $0xFFFFFEF7, lr;
	s5 =	simm.s32 $0xFFFFFFFF;
	p2 =	slt.u32 s8, $0xFFFFF086  }
0x1c: {  	p1 =	slt.u32 s9, $0xF7A;
	s5 =	simm.s32 @!p2 $0x0  }
0x1d: {  	s5 =	simm.s32 @p1 $0x1;
	p0 =	seq.s32 s7, s2  }
0x1e: {  	s7 =	smul.u32 @!p0 $0xF7A, s2;
	p2 =	seq.s32 @!p0 s5, $0x0  }
0x1f: {  	s9 =	smul.u32 $0xF7A, s1;
	s8 =	simm.s32 @!p0 $0x1BF5;
	p2 =	por !p2, p0  }
0x20: {  	[sflag:s8] =	ssyncset.s32 @!p0 $0xFFFFF086;
	s6 =	sadd.s32 @!p0 s3, s7;
	s7 =	simm.s32 @!p0 $0x108  }
0x21: {  	s3 =	sadd.s32 s3, s9;
	s6 =	sadd.s32 @!p0 $0x88, s6;
	s7 =	simm.s32 @p2 $0x1082  }
0x22: {  	[simem:s7], [sflag:s8] =	dma.local @!p0 [hbm:s6], $0xF7A  }
0x23: {  	s9 =	sor.u32 $0xD0000000, s2;
	s6 =	simm.s32 $0x108;
	_ =	swait.ge @!p0 [sflag:s8], $0x0  }
0x24: {  	s3 =	sadd.s32 $0x88, s3;
	s6 =	simm.s32 @!p1 $0x1082;
	[sflag:s4] =	ssyncset.s32 $0xFFFFF086  }
0x25: {  	[simem:s6], [sflag:s4] =	dma.local [hbm:s3], $0xF7A  }
0x26: {  	[smem:$0x3F97] =	sst s1;
	(tag) =	ssettag s2;
	_ =	strace s9  }
0x27: {  	s1 =	sld [smem:$0x3FA7]  }
0x28: {  	s2 =	sld [smem:$0x3FA8]  }
0x29: {  	s4 =	sld [smem:$0x3FAA]  }
0x2a: {  	p0 =	seq.s32 s5, $0x0;
	s5 =	sld [smem:$0x3FAB]  }
0x2b: {  	s6 =	sld [smem:$0x3FAC]  }
0x2c: {  	s7 =	sld [smem:$0x3FAD]  }
0x2d: {  	s3 =	simm.s32 $0x108;
	s8 =	sld [smem:$0x3FAE]  }
0x2e: {  	s3 =	simm.s32 @!p0 $0x1082;
	s9 =	sld [smem:$0x3FAF]  }
0x2f: {  	lr =	sadd.s32 s0, s3;
	s0 =	sld [smem:$0x3FA6]  }
0x30: {  	s3 =	sld [smem:$0x3FA9]  }
0x31: {  	[smem:$0x3FB2] =	sst s10  }
0x32: {  	s10 =	sld [smem:$0x3FB0];
	_ =	sdelay $0x3  }
0x33: {  	p0 =	seq.s32 s10, $0x1;
	s10 =	sld [smem:$0x3FB2];
	_ =	sdelay $0x3  }
0x34: {  	[smem:$0x3FB2] =	sst s10  }
0x35: {  	s10 =	sld [smem:$0x3FB1];
	_ =	sdelay $0x3  }
0x36: {  	p1 =	seq.s32 s10, $0x1;
	s10 =	sld [smem:$0x3FB2];
	_ =	sdelay $0x3  }
0x37: {  	[smem:$0x3FB2] =	sst s10  }
0x38: {  	s10 =	sld [smem:$0x3FB3]  }
0x39: {  	_ = 	snop;
	(pc) =	sbr.ind lr, $3  }
0x3a: {  	_ = 	snop  }
0x3b: {  	_ = 	snop  }
0x3c: {  	p2 =	seq.s32 s10, $0x1;
	s10 =	sld [smem:$0x3FB2]  }
0x3d: {  	_ =	shalt  }
0x3e: {  	_ =	shalt  }
0x3f: {  	_ =	shalt  }
0x40: {  	_ =	shalt  }
0x41: {  	_ =	shalt  }
0x42: {  	_ =	shalt  }
0x43: {  	_ =	shalt  }
0x44: {  	_ =	shalt  }
0x45: {  	_ =	shalt  }
0x46: {  	_ =	shalt  }
0x47: {  	_ =	shalt  }
0x48: {  	_ =	shalt  }
0x49: {  	_ =	shalt  }
0x4a: {  	_ =	shalt  }
0x4b: {  	_ =	shalt  }
0x4c: {  	_ =	shalt  }
0x4d: {  	_ =	shalt  }
0x4e: {  	_ =	shalt  }
0x4f: {  	_ =	shalt  }
0x50: {  	_ =	shalt  }
0x51: {  	_ =	shalt  }
0x52: {  	_ =	shalt  }
0x53: {  	_ =	shalt  }
0x54: {  	_ =	shalt  }
0x55: {  	_ =	shalt  }
0x56: {  	_ =	shalt  }
0x57: {  	_ =	shalt  }
0x58: {  	_ =	shalt  }
0x59: {  	_ =	shalt  }
0x5a: {  	_ =	shalt  }
0x5b: {  	_ =	shalt  }
0x5c: {  	_ =	shalt  }
0x5d: {  	_ =	shalt  }
0x5e: {  	_ =	shalt  }
0x5f: {  	_ =	shalt  }
0x60: {  	_ =	shalt  }
0x61: {  	_ =	shalt  }
0x62: {  	_ =	shalt  }
0x63: {  	_ =	shalt  }
0x64: {  	_ =	shalt  }
0x65: {  	_ =	shalt  }
0x66: {  	_ =	shalt  }
0x67: {  	_ =	shalt  }
0x68: {  	_ =	shalt  }
0x69: {  	_ =	shalt  }
0x6a: {  	_ =	shalt  }
0x6b: {  	_ =	shalt  }
0x6c: {  	_ =	shalt  }
0x6d: {  	_ =	shalt  }
0x6e: {  	_ =	shalt  }
0x6f: {  	_ =	shalt  }
0x70: {  	_ =	shalt  }
0x71: {  	_ =	shalt  }
0x72: {  	_ =	shalt  }
0x73: {  	_ =	shalt  }
0x74: {  	_ =	shalt  }
0x75: {  	_ =	shalt  }
0x76: {  	_ =	shalt  }
0x77: {  	_ =	shalt  }
0x78: {  	_ =	shalt  }
0x79: {  	_ =	shalt  }
0x7a: {  	_ =	shalt  }
0x7b: {  	_ =	shalt  }
0x7c: {  	_ =	shalt  }
0x7d: {  	_ =	shalt  }
0x7e: {  	_ =	shalt  }
0x7f: {  	_ =	shalt  }
0x80: {  	_ =	shalt  }
0x81: {  	_ =	shalt  }
0x82: {  	_ =	shalt  }
0x83: {  	_ =	shalt  }
0x84: {  	_ =	shalt  }
0x85: {  	_ =	shalt  }
0x86: {  	_ =	shalt  }
0x87: {  	_ =	shalt  }
.Lfunc_end0:
.L_simem_size_0:
called_computation.1_lowered:
.L_overlay_start_0:
0x88: {  	s2 =	sld [smem:$0x3FD9]  }
0x89: {  	s3 =	sld [smem:$0x3FFE];
	_ =	sdelay $0x1  }
0x8a: {  	s1 =	srdreg.scid  }
0x8b: {  	s0 =	sand.u32 $0x1, s1  }
0x8c: {  	s17 =	sshll.u32 s0, $0xA;
	s2 =	sadd.s32 s3, s2  }
0x8d: {  	s2 =	sadd.s32 s2, s17  }
0x8e: {  	[smem:$0x3FBE] =	sst s2  }
0x8f: {  	_ = 	snop  }
0x90: {  	s2 =	sld [smem:$0x3FD0];
	(tm) =	ssettm $0x1  }
0x91: {  	s18 =	sld [smem:$0x3FFB];
	_ =	sdelay $0x3  }
0x92: {  	_ =	strace s18  }
0x93: {  	s3 =	sld [smem:$0x3FFC];
	_ =	sdelay $0x3  }
0x94: {  	_ =	strace s3  }
0x95: {  	s3 =	sld [smem:$0x3FFD];
	_ =	sdelay $0x3  }
0x96: {  	_ =	strace s3  }
0x97: {  	_ =	strace $0x8FFFFFFF  }
0x98: {  	s19 =	sld [smem:$0x3FDB];
	_ =	sdelay $0x1  }
0x99: {  	s4 =	simm.s32 $_scs_section_size  }
0x9a: {  	s5 =	simm.s32 $_size__tile_overlayer_lowered;
	s6 =	simm.s32 $_tile_overlayer_lowered  }
0x9b: {  	s22 =	simm.s32 $0x1BFF;
	s21 =	sshll.u32 s6, $0x1;
	s3 =	sadd.s32 s4, s19  }
0x9c: {  	s7 =	simm.s32 $0x0;
	s20 =	sshll.u32 s5, $0x1;
	s5 =	sadd.s32 s21, s3  }
0x9d: {  	[timem:s7], [sflag:s22] =	dma.local [hbm:s5], s20  }
0x9e: {  	_ =	swait.ge [sflag:s22], s20  }
0x9f: {  	s4 =	ssub.s32 $0x0, s20;
	[sflag:s22] =	ssyncset.done $0x0  }
0xa0: {  	[sflag:s22] =	ssyncadd.s32 s4;
	_ =	sdelay $0x1  }
0xa1: {  	s23 =	simm.s32 $0x1B8B  }
0xa2: {  	_ =	swait.ge [sflag:s23], $0x1  }
0xa3: {  	[sflag:s23] =	ssyncset.done $0x0  }
0xa4: {  	s25 =	simm.s32 $0x1B8E;
	s24 =	sld [smem:$0x3FFE];
	[sflag:s23] =	ssyncadd.s32 $0xFFFFFFFF  }
0xa5: {  	s26 =	simm.s32 $execute0_lowered;
	[smem:$0x3FD2] =	sst s25  }
0xa6: {  	s5 =	sshll.u32 s26, $0x1;
	_ =	strace $0x80000049;
	[dreg:$0x1] =	wrdreg $0xFFFFFFFF  }
0xa7: {  	s28 =	simm.s32 $_size_execute0_lowered;
	s3 =	sadd.s32 s3, s5;
	[dreg:$0x0] =	wrdreg $0x0  }
0xa8: {  	s5 =	sshll.u32 s28, $0x1;
	[dreg:$0x2] =	wrdreg s3  }
0xa9: {  	[dreg:$0x3] =	wrdreg s5  }
0xaa: {  	[dreg:$0x4] =	wrdreg $0xC0  }
0xab: {  	_ =	task [dreg:s7], $0x5FFFF  }
0xac: {  	[dreg:$0x1] =	wrdreg $0xFFFFFFFF  }
0xad: {  	[dreg:$0x0] =	wrdreg $0x60  }
0xae: {  	[dreg:$0x2] =	wrdreg s2  }
0xaf: {  	[dreg:$0x3] =	wrdreg s24  }
0xb0: {  	[dreg:$0x4] =	wrdreg $0x9  }
0xb1: {  	_ =	task.clear_ibuf [dreg:s7], $0x5FFFF;
	_ =	strace $0x90000049  }
0xb2: {  	s29 =	simm.s32 $0x9;
	_ =	strace $0x8000004B  }
0xb3: {  	_ =	swait.ge [sflag:s29], $0x1  }
0xb4: {  	[sflag:s29] =	ssyncadd.s32 $0xFFFFFFFF  }
0xb5: {  	_ =	strace $0x9000004B  }
0xb6: {  	_ =	sfence  }
0xb7: {  	s30 =	sld [smem:$0x0];
	_ =	sdelay $0x2  }
0xb8: {  	s31 =	sshll.u32 s1, $0xD;
	s1 =	sshrl.u32 s1, $0x2  }
0xb9: {  	s3 =	sand.u32 $0x4000, s31;
	s1 =	sadd.s32 s1, s30  }
0xba: {  	s0 =	sor.u32 s3, s0;
	s1 =	sshll.u32 s1, $0x11  }
0xbb: {  	s0 =	sor.u32 s1, s0  }
0xbc: {  	s0 =	sadd.s32 $0x8F2B, s0  }
0xbd: {  	[sflag:s0] =	ssyncadd.remote.s32 $0x1  }
0xbe: {  	_ =	sfence.sel $0xFFFF  }
0xbf: {  	[dreg:$0x0] =	wrdreg $0xFFFFFFFF;
	(pc) =	sbr.abs _section_cstart, $3  }
0xc0: {  	[dreg:$0x1] =	wrdreg $0xFFFFFFFF  }
0xc1: {  	_ =	task.clear_ibuf [dreg:s7], $0x2FFFF;
	_ =	strace $0x9FFFFFFF  }
0xc2: {  	(tm) =	ssettm $0x7FFFFFFF  }
0xc3: {  	_ =	shalt  }
tec
execute0_lowered:
.L_overlay_start_1:
0x0: {  	(tag) =	ssettag $0x1  }
0x1: {  	s6 =	rddreg [dreg:$0x0];
	s0 =	srdreg.scid  }
0x2: {  	s5 =	rddreg [dreg:$0x1];
	s1 =	stileid.u32  }
0x3: {  	s2 =	simm.s32 $0x0;
	s11 =	simm.s32 $0x14050;
	s12 =	simm.s32 $0x7D0  }
0x4: {  	s13 =	simm.s32 $0x14820;
	s14 =	simm.s32 $0x1;
	s8 =	smul.u32 $0x13880, s1  }
0x5: {  	s7 =	sand.u32 $0x1, s0;
	s0 =	rddreg [dreg:$0x2];
	s10 =	smul.u32 $0x2710, s1  }
0x6: {  	s15 =	simm.s32 $0x0;
	[smem:$0x7FF] =	sst s2;
	s4 =	smul.u32 $0x138800, s7  }
0x7: {  	v3 =	vlaneseq.u32;
	s3 =	sadd.s32 $0x58A00, s5;
	_ =	strace $0x8000004A;
	s9 =	ssub.s32 $0x2, s7  }
0x8: {  	v0 =	vshrl.u32 v3, $0x3;
	s31 =	sshrl.u32 s9, $0x1;
	s6 =	sadd.s32 s6, s10;
	s4 =	sadd.s32 s8, s4  }
0x9: {  	v2 =	vmul.u32 $0xFFFFFFFF, v0;
	s10 =	simm.s32 $0x2;
	s9 =	ssub.s32 s9, s31;
	s8 =	sshrl.u32 s4, $0x3  }
0xa: {  	s4 =	sadd.s32 $0x4EC00, s5;
	s8 =	sadd.s32 s8, s5;
	s5 =	smul.u32 $0x27100, s7  }
0xb: {  	v1 =	vimm.f32 $-Inf;
	v3 =	vand.u32 $0x7, v3;
	v2 =	vadd.s32 $0x1, v2;
	s7 =	sadd.s32 $0x62800, s8;
	s8 =	smax.u32 s9, $0x1;
	s9 =	simm.s32 $0x13880  }
.LBB2_1:
0xc: {  	s16 =	simm.s32 $0x0  }
.LBB2_2:
0xd: {  	p0 =	sne.s32 s16, $0x4E1C0  }
.Ltmp0:
0xe: {  	_ = 	snop;
	(pc) =	sbr.rel @p0 .LBB2_2-.Ltmp0, $3  }
0xf: {  	_ =	sdelay $0x1  }
0x10: {  	s17 =	sshra.s32 s16, $0x2  }
0x11: {  	s16 =	sadd.s32 $0x40, s16;
	[tilespmem:s17+$0x0] =	vst v1  }
0x12: {  	s16 =	simm.s32 $0x0  }
.LBB2_4:
0x13: {  	s17 =	smul.u32 $0x7D0, s16;
	_ =	sdelay $0x1  }
0x14: {  	s17 =	sadd.s32 s5, s17  }
0x15: {  	s17 =	sshrl.u32 s17, $0x3  }
0x16: {  	s18 =	sadd.s32 s3, s17  }
0x17: {  	[tilespmem:s9], [sflag:$0x2] =	stream.linear.gather [hbm4b:s18+s2], $0x7D0, $0x38;
	[tilespmem:$0x186A0] =	vst v63  }
0x18: {  	_ =	swait.ge [sflag:s10], $0x7D0  }
0x19: {  	[sflag:s10] =	ssyncset.done $0x0  }
0x1a: {  	s17 =	sadd.s32 s4, s17;
	[sflag:s10] =	ssyncadd.s32 $0xFFFFF830  }
0x1b: {  	[tilespmem:s11], [sflag:$0x2] =	stream.linear.gather [hbm4b:s17+s2], $0x7D0, $0x38;
	[tilespmem:$0x186A0] =	vst v63  }
0x1c: {  	_ =	swait.ge [sflag:s10], $0x7D0  }
0x1d: {  	[sflag:s10] =	ssyncset.done $0x0  }
0x1e: {  	[sflag:s10] =	ssyncadd.s32 $0xFFFFF830  }
0x1f: {  	[tilespmem:s13], [sflag:$0x1] =	stream.indirect.gather [hbm4b:s6+s12], $0x8, s9, s12, $0xb8;
	[tilespmem:$0x186A0] =	vst v63  }
0x20: {  	_ =	swait.ge [sflag:s14], $0x3E80  }
0x21: {  	[sflag:s14] =	ssyncset.done $0x0  }
0x22: {  	s17 =	simm.s32 $0x6;
	[sflag:s14] =	ssyncadd.s32 $0xFFFFC180  }
.LBB2_5:
0x23: {  	s18 =	sadd.s32 $0xFFFFFFFA, s17  }
0x24: {  	v4 =	vor.u32 s18, v0;
	_ =	sdelay $0x4  }
0x25: {  	v5 =	vld.idx.msk [tilespmem:v4+s11+$0x0], $0xffff  }
0x26: {  	v6 =	vor.u32 s18, v2  }
0x27: {  	v7 =	vshll.u32 v6, $0x3  }
0x28: {  	v7 =	vor.u32 v3, v7;
	v4 =	vshll.u32 v4, $0x3  }
0x29: {  	v4 =	vor.u32 v3, v4  }
0x2a: {  	v8 =	vshll.u32 v5, $0x3  }
0x2b: {  	v8 =	vor.u32 v3, v8  }
0x2c: {  	v6 =	vld.idx.msk [tilespmem:v6+s11+$0x0], $0xffff  }
0x2d: {  	v7 =	vld.idx.msk [tilespmem:v7+s13+$0x0], $0xffff  }
0x2e: {  	v4 =	vld.idx.msk [tilespmem:v4+s13+$0x0], $0xffff;
	_ =	sdelay $0x1  }
0x2f: {  	v9 =	vld.idx.msk [tilespmem:v8+s2+$0x0], $0xffff  }
0x30: {  	s30 =	sadd.s32 $0xFFFFFFFC, s17  }
0x31: {  	v10 =	vor.u32 s30, v0  }
0x32: {  	vm0 =	veq.s32 v5, v6;
	v5 =	vmax.f32 v4, v7  }
0x33: {  	v4 =	vsel vm0, v5, v4  }
0x34: {  	v4 =	vmax.f32 v9, v4  }
0x35: {  	[tilespmem:v8+s2+$0x0] =	vst.idx.msk $0xffff, v4  }
0x36: {  	v4 =	vld.idx.msk [tilespmem:v10+s11+$0x0], $0xffff;
	_ =	sdelay $0x1  }
0x37: {  	v50 =	vshll.u32 v10, $0x3;
	v5 =	vor.u32 s30, v2  }
0x38: {  	v6 =	vor.u32 v3, v50;
	v51 =	vshll.u32 v5, $0x3  }
0x39: {  	v7 =	vor.u32 v3, v51  }
0x3a: {  	v52 =	vshll.u32 v4, $0x3  }
0x3b: {  	v8 =	vor.u32 v3, v52  }
0x3c: {  	v5 =	vld.idx.msk [tilespmem:v5+s11+$0x0], $0xffff  }
0x3d: {  	v6 =	vld.idx.msk [tilespmem:v6+s13+$0x0], $0xffff  }
0x3e: {  	v7 =	vld.idx.msk [tilespmem:v7+s13+$0x0], $0xffff;
	_ =	sdelay $0x1  }
0x3f: {  	v53 =	vld.idx.msk [tilespmem:v8+s2+$0x0], $0xffff  }
0x40: {  	s31 =	sadd.s32 $0xFFFFFFFE, s17  }
0x41: {  	v54 =	vor.u32 s31, v0  }
0x42: {  	vm13 =	veq.s32 v4, v5;
	v4 =	vmax.f32 v6, v7  }
0x43: {  	v4 =	vsel vm13, v4, v6  }
0x44: {  	v4 =	vmax.f32 v53, v4  }
0x45: {  	[tilespmem:v8+s2+$0x0] =	vst.idx.msk $0xffff, v4  }
0x46: {  	v4 =	vld.idx.msk [tilespmem:v54+s11+$0x0], $0xffff;
	_ =	sdelay $0x1  }
0x47: {  	v55 =	vshll.u32 v54, $0x3;
	v5 =	vor.u32 s31, v2  }
0x48: {  	v56 =	vshll.u32 v5, $0x3;
	v6 =	vor.u32 v3, v55  }
0x49: {  	v7 =	vor.u32 v3, v56  }
0x4a: {  	v57 =	vshll.u32 v4, $0x3  }
0x4b: {  	v8 =	vor.u32 v3, v57  }
0x4c: {  	v5 =	vld.idx.msk [tilespmem:v5+s11+$0x0], $0xffff  }
0x4d: {  	v6 =	vld.idx.msk [tilespmem:v6+s13+$0x0], $0xffff  }
0x4e: {  	v7 =	vld.idx.msk [tilespmem:v7+s13+$0x0], $0xffff;
	_ =	sdelay $0x1  }
0x4f: {  	v58 =	vld.idx.msk [tilespmem:v8+s2+$0x0], $0xffff;
	_ =	sdelay $0x1  }
0x50: {  	v59 =	vor.u32 s17, v0  }
0x51: {  	vm14 =	veq.s32 v4, v5;
	v4 =	vmax.f32 v6, v7  }
0x52: {  	v4 =	vsel vm14, v4, v6  }
0x53: {  	v4 =	vmax.f32 v58, v4  }
0x54: {  	[tilespmem:v8+s2+$0x0] =	vst.idx.msk $0xffff, v4  }
0x55: {  	v4 =	vld.idx.msk [tilespmem:v59+s11+$0x0], $0xffff;
	_ =	sdelay $0x1  }
0x56: {  	v60 =	vshll.u32 v59, $0x3;
	v5 =	vor.u32 s17, v2  }
0x57: {  	v6 =	vor.u32 v3, v60;
	v61 =	vshll.u32 v5, $0x3  }
0x58: {  	v7 =	vor.u32 v3, v61  }
0x59: {  	v62 =	vshll.u32 v4, $0x3  }
0x5a: {  	v8 =	vor.u32 v3, v62  }
0x5b: {  	v5 =	vld.idx.msk [tilespmem:v5+s11+$0x0], $0xffff  }
0x5c: {  	v6 =	vld.idx.msk [tilespmem:v6+s13+$0x0], $0xffff  }
0x5d: {  	v7 =	vld.idx.msk [tilespmem:v7+s13+$0x0], $0xffff;
	_ =	sdelay $0x1  }
0x5e: {  	v63 =	vld.idx.msk [tilespmem:v8+s2+$0x0], $0xffff  }
0x5f: {  	p0 =	sne.s32 s17, $0x7CE  }
.Ltmp1:
0x60: {  	_ = 	snop;
	(pc) =	sbr.rel @p0 .LBB2_5-.Ltmp1, $4  }
0x61: {  	vm15 =	veq.s32 v4, v5;
	v4 =	vmax.f32 v6, v7  }
0x62: {  	v4 =	vsel vm15, v4, v6  }
0x63: {  	v4 =	vmax.f32 v63, v4  }
0x64: {  	s17 =	sadd.s32 $0x8, s17;
	[tilespmem:v8+s2+$0x0] =	vst.idx.msk $0xffff, v4  }
0x65: {  	s16 =	sadd.s32 $0x1, s16  }
0x66: {  	p0 =	sne.s32 s16, $0x50  }
.Ltmp2:
0x67: {  	_ = 	snop;
	(pc) =	sbr.rel @p0 .LBB2_4-.Ltmp2, $1  }
0x68: {  	_ =	sdelay $0x3  }
0x69: {  	s15 =	sadd.s32 $0x1, s15  }
0x6a: {  	p0 =	sne.s32 s15, s8  }
.Ltmp3:
0x6b: {  	_ = 	snop;
	(pc) =	sbr.rel @p0 .LBB2_1-.Ltmp3, $4  }
0x6c: {  	[hbm4b:s7+s2] =	stream.linear.scatter [tilespmem:s2], [sflag:$0x2], $0x13880, $0x38;
	[tilespmem:$0x186A0] =	vst v63  }
0x6d: {  	_ =	swait.ge [sflag:s10], $0x13880  }
0x6e: {  	[sflag:s10] =	ssyncset.done $0x0  }
0x6f: {  	[sflag:s10] =	ssyncadd.s32 $0xFFFEC780  }
0x70: {  	_ =	sfence.sel $0x180000  }
0x71: {  	[bflag:$0x0] =	sbarrier.arrive $0xFFFF  }
0x72: {  	p0 =	sne.s32 s1, $0x0;
	_ =	strace $0x9000004A  }
0x73: {  	s0 =	sadd.s32 @!p0 $0x100000, s0;
	[bflag:$0x2] =	sbarrier.arrive $0xFFFF  }
0x74: {  	[sflag:s0] =	ssyncadd.tile.s32 @!p0 $0x1;
	_ =	shalt  }
.Lfunc_end2:
_tile_overlayer_lowered:
.L_overlay_start_2:
0x75: {  	(tag) =	ssettag $0x2  }
0x76: {  	s0 =	rddreg [dreg:$0x0];
	s2 =	stileid.u32  }
0x77: {  	s1 =	rddreg [dreg:$0x1];
	p0 =	sne.s32 s2, $0x0  }
0x78: {  	s3 =	rddreg [dreg:$0x2];
	[bflag:$0x3] =	sbarrier.arrive $0xFFFF;
	s2 =	simm.s32 @!p0 $0x1C02  }
0x79: {  	[timem:s3], [sflag:s2] =	dma.local @!p0 [hbm:s0], s1  }
0x7a: {  	s0 =	simm.s32 @!p0 $0x2  }
0x7b: {  	_ =	swait.ge @!p0 [sflag:s0], s1  }
0x7c: {  	s1 =	ssub.s32 @!p0 $0x0, s1;
	[sflag:s0] =	ssyncset.done @!p0 $0x0  }
0x7d: {  	[sflag:s0] =	ssyncadd.s32 @!p0 s1  }
0x7e: {  	[bflag:$0x3] =	sbarrier.arrive $0xFFFF  }
0x7f: {  	_ =	shalt  }

</sc_bundles>
